<compile_context>
chip_gen: v7x
topology: tpu7x:2x2x1
jax: 0.10.2.dev20260603
libtpu: 0.0.44.dev20260713+nightly
codegen_flags: <defaults>
</compile_context>

<pallas_src>
import functools

import jax
import jax.numpy as jnp
from jax import lax
from jax.experimental import pallas as pl
from jax.experimental.pallas import tpu as pltpu
from jax.experimental.pallas import tpu_sc as plsc

D = 64
H = 128
B = 16384
V = 1000001

TBLK = 32768
TSH = 15
NTB = (V + TBLK - 1) // TBLK
PBLK = TBLK // 4
VP4 = NTB * PBLK

_NC, _NS = 2, 16
NW = _NC * _NS
BPW = B // NW


def _transpose_body(xt_ref, out_ref):
    xb = xt_ref[...].astype(jnp.bfloat16)
    xt = jnp.transpose(xb)
    packed = pltpu.bitcast(xt, jnp.float32)
    out_ref[:, :D] = packed[:PBLK, :]
    out_ref[:, D:] = packed[PBLK:, :]


def _restage_tc(tableT):
    return pl.pallas_call(
        _transpose_body,
        grid=(NTB,),
        in_specs=[pl.BlockSpec((D, TBLK), lambda i: (0, i))],
        out_specs=pl.BlockSpec((PBLK, 2 * D), lambda i: (i, 0)),
        out_shape=jax.ShapeDtypeStruct((VP4, 2 * D), jnp.float32),
    )(tableT)


CHUNK = 128
CPW = BPW // CHUNK


def _gather_sc(pairs, idx):
    mesh = plsc.VectorSubcoreMesh(core_axis_name="c", subcore_axis_name="s")

    @functools.partial(
        pl.kernel,
        mesh=mesh,
        out_type=jax.ShapeDtypeStruct((B, 2 * D), jnp.float32),
        scratch_types=[
            pltpu.VMEM((BPW,), jnp.int32),
            pltpu.VMEM((CPW, CHUNK), jnp.int32),
            pltpu.VMEM((BPW, 2 * D), jnp.float32),
            pltpu.SemaphoreType.DMA,
        ],
    )
    def k(pairs_hbm, idx_hbm, out_hbm, idx_v, idxr_v, rows_v, sem):
        wid = lax.axis_index("s") * _NC + lax.axis_index("c")
        base = wid * BPW
        pltpu.sync_copy(idx_hbm.at[pl.ds(base, BPW)], idx_v)

        for j in range(CPW):
            for t in range(CHUNK // 16):
                v = idx_v[pl.ds(j * CHUNK + t * 16, 16)]
                rowid = ((v >> TSH) << (TSH - 2)) | (
                    (v & (TBLK // 2 - 1)) >> 1
                )
                idxr_v[j, pl.ds(t * 16, 16)] = rowid

        copies = [
            pltpu.async_copy(
                pairs_hbm.at[idxr_v.at[j]],
                rows_v.at[pl.ds(j * CHUNK, CHUNK)],
                sem,
            )
            for j in range(CPW)
        ]
        for c in copies:
            c.wait()
        pltpu.sync_copy(rows_v, out_hbm.at[pl.ds(base, BPW)])

    return k(pairs, idx)


def _mlp_body(
    emb2_ref, x_ref, w1_ref, b1_ref, g_ref, be_ref, w2_ref, b2_ref, out_ref
):
    xi = x_ref[...]
    half = (xi >> (TSH - 1)) & 1
    wbit = xi & 1
    sel = jnp.where(half > 0, emb2_ref[:, D:], emb2_ref[:, :D])
    bits = lax.bitcast_convert_type(sel, jnp.int32)
    chosen = jnp.where(
        wbit > 0, bits & jnp.int32(-65536), bits << 16
    )
    e = lax.bitcast_convert_type(chosen, jnp.float32)
    h = jnp.dot(
        e.astype(jnp.bfloat16),
        w1_ref[...].astype(jnp.bfloat16),
        preferred_element_type=jnp.float32,
    )
    h = h + b1_ref[...]
    mu = jnp.mean(h, axis=-1, keepdims=True)
    var = jnp.mean((h - mu) ** 2, axis=-1, keepdims=True)
    h = (h - mu) * lax.rsqrt(var + 1e-5) * g_ref[...] + be_ref[...]
    h = 0.5 * h * (1.0 + lax.erf(h * 0.7071067811865476))
    out_ref[...] = (
        jnp.dot(
            h.astype(jnp.bfloat16),
            w2_ref[...].astype(jnp.bfloat16),
            preferred_element_type=jnp.float32,
        )
        + b2_ref[...]
    )


def _mlp_tc(emb2, xi, W1, b1, gamma, beta, W2, b2):
    BLK = 4096
    grid = B // BLK
    row = lambda i: (0, 0)
    return pl.pallas_call(
        _mlp_body,
        grid=(grid,),
        in_specs=[
            pl.BlockSpec((BLK, 2 * D), lambda i: (i, 0)),
            pl.BlockSpec((BLK, 1), lambda i: (i, 0)),
            pl.BlockSpec((D, H), row),
            pl.BlockSpec((1, H), row),
            pl.BlockSpec((1, H), row),
            pl.BlockSpec((1, H), row),
            pl.BlockSpec((H, H), row),
            pl.BlockSpec((1, H), row),
        ],
        out_specs=pl.BlockSpec((BLK, H), lambda i: (i, 0)),
        out_shape=jax.ShapeDtypeStruct((B, H), jnp.float32),
    )(emb2, xi, W1, b1, gamma, beta, W2, b2)


def kernel(x, table, W1, b1, gamma, beta, W2, b2):
    xi = x.astype(jnp.int32)
    pairs = _restage_tc(table.T)
    emb2 = _gather_sc(pairs, xi.reshape(-1))
    return _mlp_tc(
        emb2,
        xi,
        W1,
        b1.reshape(1, H),
        gamma.reshape(1, H),
        beta.reshape(1, H),
        W2,
        b2.reshape(1, H),
    )

# --- scband reference (transcript-rebuilt; emitter-appended) ---
"""Pipeline reference for scband-entity-encoder-2010044695139 (READ-ONLY COPY).

The authoritative reference and input builder live on the scoring server;
editing this copy changes nothing except your own understanding.
"""

import jax, jax.numpy as jnp
import numpy as np

NUM_ENTITIES = 1000000
EMBED_DIM = 64
HIDDEN_DIM = 128
BATCH = 16384


def setup_inputs(seed: int = 0) -> dict:
    key = jax.random.key(seed)
    k1, k2, k3, k4, k5 = jax.random.split(key, 5)
    x = jax.random.randint(k1, (BATCH, 1), 0, NUM_ENTITIES + 1)
    table = jax.random.normal(k2, (NUM_ENTITIES + 1, EMBED_DIM), dtype=jnp.float32) * 0.02
    table = table.at[0].set(0.0)  # padding_idx=0
    W1 = jax.random.normal(k3, (EMBED_DIM, HIDDEN_DIM), dtype=jnp.float32) * (1.0 / np.sqrt(EMBED_DIM))
    b1 = jnp.zeros((HIDDEN_DIM,), dtype=jnp.float32)
    gamma = jnp.ones((HIDDEN_DIM,), dtype=jnp.float32)
    beta = jnp.zeros((HIDDEN_DIM,), dtype=jnp.float32)
    W2 = jax.random.normal(k4, (HIDDEN_DIM, HIDDEN_DIM), dtype=jnp.float32) * (1.0 / np.sqrt(HIDDEN_DIM))
    b2 = jnp.zeros((HIDDEN_DIM,), dtype=jnp.float32)
    return {"x": x, "table": table, "W1": W1, "b1": b1, "gamma": gamma, "beta": beta, "W2": W2, "b2": b2}


def reference(x, table, W1, b1, gamma, beta, W2, b2):
    # x: [B, 1] int ids -> squeeze(-1)
    idx = x.reshape(-1)
    emb = jnp.take(table, idx, axis=0)  # [B, EMBED_DIM] embedding gather
    h = emb @ W1 + b1                    # Linear(embed_dim -> hidden_dim)
    mu = jnp.mean(h, axis=-1, keepdims=True)
    var = jnp.var(h, axis=-1, keepdims=True)
    h = (h - mu) / jnp.sqrt(var + 1e-5) * gamma + beta  # LayerNorm
    h = jax.nn.gelu(h, approximate=False)               # GELU (exact, torch default)
    # Dropout is identity in eval mode
    out = h @ W2 + b2                    # Linear(hidden_dim -> hidden_dim)
    return out

if __name__ == "__main__":
    import jax
    _d = setup_inputs()
    print(jax.jit(kernel)(*tuple(_d.values())))

</pallas_src>

<mosaic_0001>
#map = affine_map<(d0, d1) -> (0, 0)>
#map1 = affine_map<(d0, d1) -> (0)>
module attributes {stable_mosaic.version = 14 : i64} {
  func.func @k(%arg0: i32, %arg1: i32, %arg2: memref<253952x128xf32, #tpu.memory_space<hbm>>, %arg3: memref<16384xi32, #tpu.memory_space<hbm>>, %arg4: memref<16384x128xf32, #tpu.memory_space<hbm>>, %arg5: memref<512xi32, #tpu.memory_space<vmem>>, %arg6: memref<4x128xi32, #tpu.memory_space<vmem>>, %arg7: memref<512x128xf32, #tpu.memory_space<vmem>>, %arg8: memref<!tpu.dma_semaphore, #tpu.memory_space<semaphore_mem>>) attributes {dimension_semantics = [#tpu.dimension_semantics<core_parallel>, #tpu.dimension_semantics<subcore_parallel>], iteration_bounds = array<i64: 2, 16>, scalar_prefetch = 0 : i64, scratch_operands = 4 : i64, tpu.core_type = #tpu.core_type<sc_vector_subcore>, window_params = [{transform_indices = #map}, {transform_indices = #map1}, {transform_indices = #map}]} {
    %mul3A = arith.constant 2 : i32
    %mul3A_0 = arith.muli %arg1, %mul3A : i32
    %add3A = arith.addi %mul3A_0, %arg0 : i32
    %mul3A_1 = arith.constant 512 : i32
    %mul3A_2 = arith.muli %add3A, %mul3A_1 : i32
    "tpu.region"() ({
      %run_scoped3A = tpu.sem_alloc : memref<!tpu.dma_semaphore, #tpu.memory_space<semaphore_mem>>
      %dma_start3A_779 = tpu.memref_slice %arg3[%mul3A_2] : memref<16384xi32, #tpu.memory_space<hbm>> -> memref<512xi32, #tpu.memory_space<hbm>>
      %dma_start3A_780 = tpu.memref_slice %arg3[%mul3A_2] : memref<16384xi32, #tpu.memory_space<hbm>> -> memref<512xi32, #tpu.memory_space<hbm>>
      tpu.enqueue_dma source(%dma_start3A_780 : memref<512xi32, #tpu.memory_space<hbm>>) target(%arg5 : memref<512xi32, #tpu.memory_space<vmem>>) target_semaphore(%run_scoped3A : memref<!tpu.dma_semaphore, #tpu.memory_space<semaphore_mem>>)
      %dma_wait3A_781 = tpu.memref_slice %arg3[%mul3A_2] : memref<16384xi32, #tpu.memory_space<hbm>> -> memref<512xi32, #tpu.memory_space<hbm>>
      %dma_wait3A_782 = tpu.memref_slice %arg3[%mul3A_2] : memref<16384xi32, #tpu.memory_space<hbm>> -> memref<512xi32, #tpu.memory_space<hbm>>
      tpu.wait_dma2 semaphore(%run_scoped3A : memref<!tpu.dma_semaphore, #tpu.memory_space<semaphore_mem>>) src(%dma_wait3A_782 : memref<512xi32, #tpu.memory_space<hbm>>) dst(%arg5 : memref<512xi32, #tpu.memory_space<vmem>>)
      tpu.yield
    }) : () -> ()
    %get3A = arith.constant 0 : index
    %get3A_3 = tpu.vector_load %arg5[%get3A] {strides = array<i32>} : memref<512xi32, #tpu.memory_space<vmem>>, vector<16xi32>,
    %get3A_4 = vector.shape_cast %get3A_3 : vector<16xi32> to vector<16xi32>
    %shift_right_arithmetic3A = arith.constant 15 : i32
    %shift_right_arithmetic3A_5 = vector.broadcast %shift_right_arithmetic3A : i32 to vector<16xi32>
    %shift_right_arithmetic3A_6 = arith.shrsi %get3A_4, %shift_right_arithmetic3A_5 : vector<16xi32>
    %shift_left3A = arith.constant 13 : i32
    %shift_left3A_7 = vector.broadcast %shift_left3A : i32 to vector<16xi32>
    %shift_left3A_8 = arith.shli %shift_right_arithmetic3A_6, %shift_left3A_7 : vector<16xi32>
    %and3A = arith.constant 16383 : i32
    %and3A_9 = vector.broadcast %and3A : i32 to vector<16xi32>
    %and3A_10 = arith.andi %get3A_4, %and3A_9 : vector<16xi32>
    %shift_right_arithmetic3A_11 = arith.constant 1 : i32
    %shift_right_arithmetic3A_12 = vector.broadcast %shift_right_arithmetic3A_11 : i32 to vector<16xi32>
    %shift_right_arithmetic3A_13 = arith.shrsi %and3A_10, %shift_right_arithmetic3A_12 : vector<16xi32>
    %or3A = arith.ori %shift_left3A_8, %shift_right_arithmetic3A_13 : vector<16xi32>
    %swap3A = arith.constant 0 : i32
    %swap3A_14 = arith.index_cast %swap3A : i32 to index
    %swap3A_15 = arith.constant 0 : index
    %swap3A_16 = tpu.vector_load %arg6[%swap3A_14, %swap3A_15] {strides = array<i32>} : memref<4x128xi32, #tpu.memory_space<vmem>>, vector<1x16xi32>,
    %swap3A_17 = vector.shape_cast %swap3A_16 : vector<1x16xi32> to vector<16xi32>
    %swap3A_18 = vector.shape_cast %or3A : vector<16xi32> to vector<1x16xi32>
    tpu.vector_store %arg6[%swap3A_14, %swap3A_15], %swap3A_18 {strides = array<i32>} : memref<4x128xi32, #tpu.memory_space<vmem>>, vector<1x16xi32>,
    %get3A_19 = arith.constant 16 : index
    %get3A_20 = tpu.vector_load %arg5[%get3A_19] {strides = array<i32>} : memref<512xi32, #tpu.memory_space<vmem>>, vector<16xi32>,
    %get3A_21 = vector.shape_cast %get3A_20 : vector<16xi32> to vector<16xi32>
    %shift_right_arithmetic3A_22 = arith.constant 15 : i32
    %shift_right_arithmetic3A_23 = vector.broadcast %shift_right_arithmetic3A_22 : i32 to vector<16xi32>
    %shift_right_arithmetic3A_24 = arith.shrsi %get3A_21, %shift_right_arithmetic3A_23 : vector<16xi32>
    %shift_left3A_25 = arith.constant 13 : i32
    %shift_left3A_26 = vector.broadcast %shift_left3A_25 : i32 to vector<16xi32>
    %shift_left3A_27 = arith.shli %shift_right_arithmetic3A_24, %shift_left3A_26 : vector<16xi32>
    %and3A_28 = arith.constant 16383 : i32
    %and3A_29 = vector.broadcast %and3A_28 : i32 to vector<16xi32>
    %and3A_30 = arith.andi %get3A_21, %and3A_29 : vector<16xi32>
    %shift_right_arithmetic3A_31 = arith.constant 1 : i32
    %shift_right_arithmetic3A_32 = vector.broadcast %shift_right_arithmetic3A_31 : i32 to vector<16xi32>
    %shift_right_arithmetic3A_33 = arith.shrsi %and3A_30, %shift_right_arithmetic3A_32 : vector<16xi32>
    %or3A_34 = arith.ori %shift_left3A_27, %shift_right_arithmetic3A_33 : vector<16xi32>
    %swap3A_35 = arith.constant 0 : i32
    %swap3A_36 = arith.index_cast %swap3A_35 : i32 to index
    %swap3A_37 = arith.constant 16 : index
    %swap3A_38 = tpu.vector_load %arg6[%swap3A_36, %swap3A_37] {strides = array<i32>} : memref<4x128xi32, #tpu.memory_space<vmem>>, vector<1x16xi32>,
    %swap3A_39 = vector.shape_cast %swap3A_38 : vector<1x16xi32> to vector<16xi32>
    %swap3A_40 = vector.shape_cast %or3A_34 : vector<16xi32> to vector<1x16xi32>
    tpu.vector_store %arg6[%swap3A_36, %swap3A_37], %swap3A_40 {strides = array<i32>} : memref<4x128xi32, #tpu.memory_space<vmem>>, vector<1x16xi32>,
    %get3A_41 = arith.constant 32 : index
    %get3A_42 = tpu.vector_load %arg5[%get3A_41] {strides = array<i32>} : memref<512xi32, #tpu.memory_space<vmem>>, vector<16xi32>,
    %get3A_43 = vector.shape_cast %get3A_42 : vector<16xi32> to vector<16xi32>
    %shift_right_arithmetic3A_44 = arith.constant 15 : i32
    %shift_right_arithmetic3A_45 = vector.broadcast %shift_right_arithmetic3A_44 : i32 to vector<16xi32>
    %shift_right_arithmetic3A_46 = arith.shrsi %get3A_43, %shift_right_arithmetic3A_45 : vector<16xi32>
    %shift_left3A_47 = arith.constant 13 : i32
    %shift_left3A_48 = vector.broadcast %shift_left3A_47 : i32 to vector<16xi32>
    %shift_left3A_49 = arith.shli %shift_right_arithmetic3A_46, %shift_left3A_48 : vector<16xi32>
    %and3A_50 = arith.constant 16383 : i32
    %and3A_51 = vector.broadcast %and3A_50 : i32 to vector<16xi32>
    %and3A_52 = arith.andi %get3A_43, %and3A_51 : vector<16xi32>
    %shift_right_arithmetic3A_53 = arith.constant 1 : i32
    %shift_right_arithmetic3A_54 = vector.broadcast %shift_right_arithmetic3A_53 : i32 to vector<16xi32>
    %shift_right_arithmetic3A_55 = arith.shrsi %and3A_52, %shift_right_arithmetic3A_54 : vector<16xi32>
    %or3A_56 = arith.ori %shift_left3A_49, %shift_right_arithmetic3A_55 : vector<16xi32>
    %swap3A_57 = arith.constant 0 : i32
    %swap3A_58 = arith.index_cast %swap3A_57 : i32 to index
    %swap3A_59 = arith.constant 32 : index
    %swap3A_60 = tpu.vector_load %arg6[%swap3A_58, %swap3A_59] {strides = array<i32>} : memref<4x128xi32, #tpu.memory_space<vmem>>, vector<1x16xi32>,
    %swap3A_61 = vector.shape_cast %swap3A_60 : vector<1x16xi32> to vector<16xi32>
    %swap3A_62 = vector.shape_cast %or3A_56 : vector<16xi32> to vector<1x16xi32>
    tpu.vector_store %arg6[%swap3A_58, %swap3A_59], %swap3A_62 {strides = array<i32>} : memref<4x128xi32, #tpu.memory_space<vmem>>, vector<1x16xi32>,
    %get3A_63 = arith.constant 48 : index
    %get3A_64 = tpu.vector_load %arg5[%get3A_63] {strides = array<i32>} : memref<512xi32, #tpu.memory_space<vmem>>, vector<16xi32>,
    %get3A_65 = vector.shape_cast %get3A_64 : vector<16xi32> to vector<16xi32>
    %shift_right_arithmetic3A_66 = arith.constant 15 : i32
    %shift_right_arithmetic3A_67 = vector.broadcast %shift_right_arithmetic3A_66 : i32 to vector<16xi32>
    %shift_right_arithmetic3A_68 = arith.shrsi %get3A_65, %shift_right_arithmetic3A_67 : vector<16xi32>
    %shift_left3A_69 = arith.constant 13 : i32
    %shift_left3A_70 = vector.broadcast %shift_left3A_69 : i32 to vector<16xi32>
    %shift_left3A_71 = arith.shli %shift_right_arithmetic3A_68, %shift_left3A_70 : vector<16xi32>
    %and3A_72 = arith.constant 16383 : i32
    %and3A_73 = vector.broadcast %and3A_72 : i32 to vector<16xi32>
    %and3A_74 = arith.andi %get3A_65, %and3A_73 : vector<16xi32>
    %shift_right_arithmetic3A_75 = arith.constant 1 : i32
    %shift_right_arithmetic3A_76 = vector.broadcast %shift_right_arithmetic3A_75 : i32 to vector<16xi32>
    %shift_right_arithmetic3A_77 = arith.shrsi %and3A_74, %shift_right_arithmetic3A_76 : vector<16xi32>
    %or3A_78 = arith.ori %shift_left3A_71, %shift_right_arithmetic3A_77 : vector<16xi32>
    %swap3A_79 = arith.constant 0 : i32
    %swap3A_80 = arith.index_cast %swap3A_79 : i32 to index
    %swap3A_81 = arith.constant 48 : index
    %swap3A_82 = tpu.vector_load %arg6[%swap3A_80, %swap3A_81] {strides = array<i32>} : memref<4x128xi32, #tpu.memory_space<vmem>>, vector<1x16xi32>,
    %swap3A_83 = vector.shape_cast %swap3A_82 : vector<1x16xi32> to vector<16xi32>
    %swap3A_84 = vector.shape_cast %or3A_78 : vector<16xi32> to vector<1x16xi32>
    tpu.vector_store %arg6[%swap3A_80, %swap3A_81], %swap3A_84 {strides = array<i32>} : memref<4x128xi32, #tpu.memory_space<vmem>>, vector<1x16xi32>,
    %get3A_85 = arith.constant 64 : index
    %get3A_86 = tpu.vector_load %arg5[%get3A_85] {strides = array<i32>} : memref<512xi32, #tpu.memory_space<vmem>>, vector<16xi32>,
    %get3A_87 = vector.shape_cast %get3A_86 : vector<16xi32> to vector<16xi32>
    %shift_right_arithmetic3A_88 = arith.constant 15 : i32
    %shift_right_arithmetic3A_89 = vector.broadcast %shift_right_arithmetic3A_88 : i32 to vector<16xi32>
    %shift_right_arithmetic3A_90 = arith.shrsi %get3A_87, %shift_right_arithmetic3A_89 : vector<16xi32>
    %shift_left3A_91 = arith.constant 13 : i32
    %shift_left3A_92 = vector.broadcast %shift_left3A_91 : i32 to vector<16xi32>
    %shift_left3A_93 = arith.shli %shift_right_arithmetic3A_90, %shift_left3A_92 : vector<16xi32>
    %and3A_94 = arith.constant 16383 : i32
    %and3A_95 = vector.broadcast %and3A_94 : i32 to vector<16xi32>
    %and3A_96 = arith.andi %get3A_87, %and3A_95 : vector<16xi32>
    %shift_right_arithmetic3A_97 = arith.constant 1 : i32
    %shift_right_arithmetic3A_98 = vector.broadcast %shift_right_arithmetic3A_97 : i32 to vector<16xi32>
    %shift_right_arithmetic3A_99 = arith.shrsi %and3A_96, %shift_right_arithmetic3A_98 : vector<16xi32>
    %or3A_100 = arith.ori %shift_left3A_93, %shift_right_arithmetic3A_99 : vector<16xi32>
    %swap3A_101 = arith.constant 0 : i32
    %swap3A_102 = arith.index_cast %swap3A_101 : i32 to index
    %swap3A_103 = arith.constant 64 : index
    %swap3A_104 = tpu.vector_load %arg6[%swap3A_102, %swap3A_103] {strides = array<i32>} : memref<4x128xi32, #tpu.memory_space<vmem>>, vector<1x16xi32>,
    %swap3A_105 = vector.shape_cast %swap3A_104 : vector<1x16xi32> to vector<16xi32>
    %swap3A_106 = vector.shape_cast %or3A_100 : vector<16xi32> to vector<1x16xi32>
    tpu.vector_store %arg6[%swap3A_102, %swap3A_103], %swap3A_106 {strides = array<i32>} : memref<4x128xi32, #tpu.memory_space<vmem>>, vector<1x16xi32>,
    %get3A_107 = arith.constant 80 : index
    %get3A_108 = tpu.vector_load %arg5[%get3A_107] {strides = array<i32>} : memref<512xi32, #tpu.memory_space<vmem>>, vector<16xi32>,
    %get3A_109 = vector.shape_cast %get3A_108 : vector<16xi32> to vector<16xi32>
    %shift_right_arithmetic3A_110 = arith.constant 15 : i32
    %shift_right_arithmetic3A_111 = vector.broadcast %shift_right_arithmetic3A_110 : i32 to vector<16xi32>
    %shift_right_arithmetic3A_112 = arith.shrsi %get3A_109, %shift_right_arithmetic3A_111 : vector<16xi32>
    %shift_left3A_113 = arith.constant 13 : i32
    %shift_left3A_114 = vector.broadcast %shift_left3A_113 : i32 to vector<16xi32>
    %shift_left3A_115 = arith.shli %shift_right_arithmetic3A_112, %shift_left3A_114 : vector<16xi32>
    %and3A_116 = arith.constant 16383 : i32
    %and3A_117 = vector.broadcast %and3A_116 : i32 to vector<16xi32>
    %and3A_118 = arith.andi %get3A_109, %and3A_117 : vector<16xi32>
    %shift_right_arithmetic3A_119 = arith.constant 1 : i32
    %shift_right_arithmetic3A_120 = vector.broadcast %shift_right_arithmetic3A_119 : i32 to vector<16xi32>
    %shift_right_arithmetic3A_121 = arith.shrsi %and3A_118, %shift_right_arithmetic3A_120 : vector<16xi32>
    %or3A_122 = arith.ori %shift_left3A_115, %shift_right_arithmetic3A_121 : vector<16xi32>
    %swap3A_123 = arith.constant 0 : i32
    %swap3A_124 = arith.index_cast %swap3A_123 : i32 to index
    %swap3A_125 = arith.constant 80 : index
    %swap3A_126 = tpu.vector_load %arg6[%swap3A_124, %swap3A_125] {strides = array<i32>} : memref<4x128xi32, #tpu.memory_space<vmem>>, vector<1x16xi32>,
    %swap3A_127 = vector.shape_cast %swap3A_126 : vector<1x16xi32> to vector<16xi32>
    %swap3A_128 = vector.shape_cast %or3A_122 : vector<16xi32> to vector<1x16xi32>
    tpu.vector_store %arg6[%swap3A_124, %swap3A_125], %swap3A_128 {strides = array<i32>} : memref<4x128xi32, #tpu.memory_space<vmem>>, vector<1x16xi32>,
    %get3A_129 = arith.constant 96 : index
    %get3A_130 = tpu.vector_load %arg5[%get3A_129] {strides = array<i32>} : memref<512xi32, #tpu.memory_space<vmem>>, vector<16xi32>,
    %get3A_131 = vector.shape_cast %get3A_130 : vector<16xi32> to vector<16xi32>
    %shift_right_arithmetic3A_132 = arith.constant 15 : i32
    %shift_right_arithmetic3A_133 = vector.broadcast %shift_right_arithmetic3A_132 : i32 to vector<16xi32>
    %shift_right_arithmetic3A_134 = arith.shrsi %get3A_131, %shift_right_arithmetic3A_133 : vector<16xi32>
    %shift_left3A_135 = arith.constant 13 : i32
    %shift_left3A_136 = vector.broadcast %shift_left3A_135 : i32 to vector<16xi32>
    %shift_left3A_137 = arith.shli %shift_right_arithmetic3A_134, %shift_left3A_136 : vector<16xi32>
    %and3A_138 = arith.constant 16383 : i32
    %and3A_139 = vector.broadcast %and3A_138 : i32 to vector<16xi32>
    %and3A_140 = arith.andi %get3A_131, %and3A_139 : vector<16xi32>
    %shift_right_arithmetic3A_141 = arith.constant 1 : i32
    %shift_right_arithmetic3A_142 = vector.broadcast %shift_right_arithmetic3A_141 : i32 to vector<16xi32>
    %shift_right_arithmetic3A_143 = arith.shrsi %and3A_140, %shift_right_arithmetic3A_142 : vector<16xi32>
    %or3A_144 = arith.ori %shift_left3A_137, %shift_right_arithmetic3A_143 : vector<16xi32>
    %swap3A_145 = arith.constant 0 : i32
    %swap3A_146 = arith.index_cast %swap3A_145 : i32 to index
    %swap3A_147 = arith.constant 96 : index
    %swap3A_148 = tpu.vector_load %arg6[%swap3A_146, %swap3A_147] {strides = array<i32>} : memref<4x128xi32, #tpu.memory_space<vmem>>, vector<1x16xi32>,
    %swap3A_149 = vector.shape_cast %swap3A_148 : vector<1x16xi32> to vector<16xi32>
    %swap3A_150 = vector.shape_cast %or3A_144 : vector<16xi32> to vector<1x16xi32>
    tpu.vector_store %arg6[%swap3A_146, %swap3A_147], %swap3A_150 {strides = array<i32>} : memref<4x128xi32, #tpu.memory_space<vmem>>, vector<1x16xi32>,
    %get3A_151 = arith.constant 112 : index
    %get3A_152 = tpu.vector_load %arg5[%get3A_151] {strides = array<i32>} : memref<512xi32, #tpu.memory_space<vmem>>, vector<16xi32>,
    %get3A_153 = vector.shape_cast %get3A_152 : vector<16xi32> to vector<16xi32>
    %shift_right_arithmetic3A_154 = arith.constant 15 : i32
    %shift_right_arithmetic3A_155 = vector.broadcast %shift_right_arithmetic3A_154 : i32 to vector<16xi32>
    %shift_right_arithmetic3A_156 = arith.shrsi %get3A_153, %shift_right_arithmetic3A_155 : vector<16xi32>
    %shift_left3A_157 = arith.constant 13 : i32
    %shift_left3A_158 = vector.broadcast %shift_left3A_157 : i32 to vector<16xi32>
    %shift_left3A_159 = arith.shli %shift_right_arithmetic3A_156, %shift_left3A_158 : vector<16xi32>
    %and3A_160 = arith.constant 16383 : i32
    %and3A_161 = vector.broadcast %and3A_160 : i32 to vector<16xi32>
    %and3A_162 = arith.andi %get3A_153, %and3A_161 : vector<16xi32>
    %shift_right_arithmetic3A_163 = arith.constant 1 : i32
    %shift_right_arithmetic3A_164 = vector.broadcast %shift_right_arithmetic3A_163 : i32 to vector<16xi32>
    %shift_right_arithmetic3A_165 = arith.shrsi %and3A_162, %shift_right_arithmetic3A_164 : vector<16xi32>
    %or3A_166 = arith.ori %shift_left3A_159, %shift_right_arithmetic3A_165 : vector<16xi32>
    %swap3A_167 = arith.constant 0 : i32
    %swap3A_168 = arith.index_cast %swap3A_167 : i32 to index
    %swap3A_169 = arith.constant 112 : index
    %swap3A_170 = tpu.vector_load %arg6[%swap3A_168, %swap3A_169] {strides = array<i32>} : memref<4x128xi32, #tpu.memory_space<vmem>>, vector<1x16xi32>,
    %swap3A_171 = vector.shape_cast %swap3A_170 : vector<1x16xi32> to vector<16xi32>
    %swap3A_172 = vector.shape_cast %or3A_166 : vector<16xi32> to vector<1x16xi32>
    tpu.vector_store %arg6[%swap3A_168, %swap3A_169], %swap3A_172 {strides = array<i32>} : memref<4x128xi32, #tpu.memory_space<vmem>>, vector<1x16xi32>,
    %get3A_173 = arith.constant 128 : index
    %get3A_174 = tpu.vector_load %arg5[%get3A_173] {strides = array<i32>} : memref<512xi32, #tpu.memory_space<vmem>>, vector<16xi32>,
    %get3A_175 = vector.shape_cast %get3A_174 : vector<16xi32> to vector<16xi32>
    %shift_right_arithmetic3A_176 = arith.constant 15 : i32
    %shift_right_arithmetic3A_177 = vector.broadcast %shift_right_arithmetic3A_176 : i32 to vector<16xi32>
    %shift_right_arithmetic3A_178 = arith.shrsi %get3A_175, %shift_right_arithmetic3A_177 : vector<16xi32>
    %shift_left3A_179 = arith.constant 13 : i32
    %shift_left3A_180 = vector.broadcast %shift_left3A_179 : i32 to vector<16xi32>
    %shift_left3A_181 = arith.shli %shift_right_arithmetic3A_178, %shift_left3A_180 : vector<16xi32>
    %and3A_182 = arith.constant 16383 : i32
    %and3A_183 = vector.broadcast %and3A_182 : i32 to vector<16xi32>
    %and3A_184 = arith.andi %get3A_175, %and3A_183 : vector<16xi32>
    %shift_right_arithmetic3A_185 = arith.constant 1 : i32
    %shift_right_arithmetic3A_186 = vector.broadcast %shift_right_arithmetic3A_185 : i32 to vector<16xi32>
    %shift_right_arithmetic3A_187 = arith.shrsi %and3A_184, %shift_right_arithmetic3A_186 : vector<16xi32>
    %or3A_188 = arith.ori %shift_left3A_181, %shift_right_arithmetic3A_187 : vector<16xi32>
    %swap3A_189 = arith.constant 1 : i32
    %swap3A_190 = arith.index_cast %swap3A_189 : i32 to index
    %swap3A_191 = arith.constant 0 : index
    %swap3A_192 = tpu.vector_load %arg6[%swap3A_190, %swap3A_191] {strides = array<i32>} : memref<4x128xi32, #tpu.memory_space<vmem>>, vector<1x16xi32>,
    %swap3A_193 = vector.shape_cast %swap3A_192 : vector<1x16xi32> to vector<16xi32>
    %swap3A_194 = vector.shape_cast %or3A_188 : vector<16xi32> to vector<1x16xi32>
    tpu.vector_store %arg6[%swap3A_190, %swap3A_191], %swap3A_194 {strides = array<i32>} : memref<4x128xi32, #tpu.memory_space<vmem>>, vector<1x16xi32>,
    %get3A_195 = arith.constant 144 : index
    %get3A_196 = tpu.vector_load %arg5[%get3A_195] {strides = array<i32>} : memref<512xi32, #tpu.memory_space<vmem>>, vector<16xi32>,
    %get3A_197 = vector.shape_cast %get3A_196 : vector<16xi32> to vector<16xi32>
    %shift_right_arithmetic3A_198 = arith.constant 15 : i32
    %shift_right_arithmetic3A_199 = vector.broadcast %shift_right_arithmetic3A_198 : i32 to vector<16xi32>
    %shift_right_arithmetic3A_200 = arith.shrsi %get3A_197, %shift_right_arithmetic3A_199 : vector<16xi32>
    %shift_left3A_201 = arith.constant 13 : i32
    %shift_left3A_202 = vector.broadcast %shift_left3A_201 : i32 to vector<16xi32>
    %shift_left3A_203 = arith.shli %shift_right_arithmetic3A_200, %shift_left3A_202 : vector<16xi32>
    %and3A_204 = arith.constant 16383 : i32
    %and3A_205 = vector.broadcast %and3A_204 : i32 to vector<16xi32>
    %and3A_206 = arith.andi %get3A_197, %and3A_205 : vector<16xi32>
    %shift_right_arithmetic3A_207 = arith.constant 1 : i32
    %shift_right_arithmetic3A_208 = vector.broadcast %shift_right_arithmetic3A_207 : i32 to vector<16xi32>
    %shift_right_arithmetic3A_209 = arith.shrsi %and3A_206, %shift_right_arithmetic3A_208 : vector<16xi32>
    %or3A_210 = arith.ori %shift_left3A_203, %shift_right_arithmetic3A_209 : vector<16xi32>
    %swap3A_211 = arith.constant 1 : i32
    %swap3A_212 = arith.index_cast %swap3A_211 : i32 to index
    %swap3A_213 = arith.constant 16 : index
    %swap3A_214 = tpu.vector_load %arg6[%swap3A_212, %swap3A_213] {strides = array<i32>} : memref<4x128xi32, #tpu.memory_space<vmem>>, vector<1x16xi32>,
    %swap3A_215 = vector.shape_cast %swap3A_214 : vector<1x16xi32> to vector<16xi32>
    %swap3A_216 = vector.shape_cast %or3A_210 : vector<16xi32> to vector<1x16xi32>
    tpu.vector_store %arg6[%swap3A_212, %swap3A_213], %swap3A_216 {strides = array<i32>} : memref<4x128xi32, #tpu.memory_space<vmem>>, vector<1x16xi32>,
    %get3A_217 = arith.constant 160 : index
    %get3A_218 = tpu.vector_load %arg5[%get3A_217] {strides = array<i32>} : memref<512xi32, #tpu.memory_space<vmem>>, vector<16xi32>,
    %get3A_219 = vector.shape_cast %get3A_218 : vector<16xi32> to vector<16xi32>
    %shift_right_arithmetic3A_220 = arith.constant 15 : i32
    %shift_right_arithmetic3A_221 = vector.broadcast %shift_right_arithmetic3A_220 : i32 to vector<16xi32>
    %shift_right_arithmetic3A_222 = arith.shrsi %get3A_219, %shift_right_arithmetic3A_221 : vector<16xi32>
    %shift_left3A_223 = arith.constant 13 : i32
    %shift_left3A_224 = vector.broadcast %shift_left3A_223 : i32 to vector<16xi32>
    %shift_left3A_225 = arith.shli %shift_right_arithmetic3A_222, %shift_left3A_224 : vector<16xi32>
    %and3A_226 = arith.constant 16383 : i32
    %and3A_227 = vector.broadcast %and3A_226 : i32 to vector<16xi32>
    %and3A_228 = arith.andi %get3A_219, %and3A_227 : vector<16xi32>
    %shift_right_arithmetic3A_229 = arith.constant 1 : i32
    %shift_right_arithmetic3A_230 = vector.broadcast %shift_right_arithmetic3A_229 : i32 to vector<16xi32>
    %shift_right_arithmetic3A_231 = arith.shrsi %and3A_228, %shift_right_arithmetic3A_230 : vector<16xi32>
    %or3A_232 = arith.ori %shift_left3A_225, %shift_right_arithmetic3A_231 : vector<16xi32>
    %swap3A_233 = arith.constant 1 : i32
    %swap3A_234 = arith.index_cast %swap3A_233 : i32 to index
    %swap3A_235 = arith.constant 32 : index
    %swap3A_236 = tpu.vector_load %arg6[%swap3A_234, %swap3A_235] {strides = array<i32>} : memref<4x128xi32, #tpu.memory_space<vmem>>, vector<1x16xi32>,
    %swap3A_237 = vector.shape_cast %swap3A_236 : vector<1x16xi32> to vector<16xi32>
    %swap3A_238 = vector.shape_cast %or3A_232 : vector<16xi32> to vector<1x16xi32>
    tpu.vector_store %arg6[%swap3A_234, %swap3A_235], %swap3A_238 {strides = array<i32>} : memref<4x128xi32, #tpu.memory_space<vmem>>, vector<1x16xi32>,
    %get3A_239 = arith.constant 176 : index
    %get3A_240 = tpu.vector_load %arg5[%get3A_239] {strides = array<i32>} : memref<512xi32, #tpu.memory_space<vmem>>, vector<16xi32>,
    %get3A_241 = vector.shape_cast %get3A_240 : vector<16xi32> to vector<16xi32>
    %shift_right_arithmetic3A_242 = arith.constant 15 : i32
    %shift_right_arithmetic3A_243 = vector.broadcast %shift_right_arithmetic3A_242 : i32 to vector<16xi32>
    %shift_right_arithmetic3A_244 = arith.shrsi %get3A_241, %shift_right_arithmetic3A_243 : vector<16xi32>
    %shift_left3A_245 = arith.constant 13 : i32
    %shift_left3A_246 = vector.broadcast %shift_left3A_245 : i32 to vector<16xi32>
    %shift_left3A_247 = arith.shli %shift_right_arithmetic3A_244, %shift_left3A_246 : vector<16xi32>
    %and3A_248 = arith.constant 16383 : i32
    %and3A_249 = vector.broadcast %and3A_248 : i32 to vector<16xi32>
    %and3A_250 = arith.andi %get3A_241, %and3A_249 : vector<16xi32>
    %shift_right_arithmetic3A_251 = arith.constant 1 : i32
    %shift_right_arithmetic3A_252 = vector.broadcast %shift_right_arithmetic3A_251 : i32 to vector<16xi32>
    %shift_right_arithmetic3A_253 = arith.shrsi %and3A_250, %shift_right_arithmetic3A_252 : vector<16xi32>
    %or3A_254 = arith.ori %shift_left3A_247, %shift_right_arithmetic3A_253 : vector<16xi32>
    %swap3A_255 = arith.constant 1 : i32
    %swap3A_256 = arith.index_cast %swap3A_255 : i32 to index
    %swap3A_257 = arith.constant 48 : index
    %swap3A_258 = tpu.vector_load %arg6[%swap3A_256, %swap3A_257] {strides = array<i32>} : memref<4x128xi32, #tpu.memory_space<vmem>>, vector<1x16xi32>,
    %swap3A_259 = vector.shape_cast %swap3A_258 : vector<1x16xi32> to vector<16xi32>
    %swap3A_260 = vector.shape_cast %or3A_254 : vector<16xi32> to vector<1x16xi32>
    tpu.vector_store %arg6[%swap3A_256, %swap3A_257], %swap3A_260 {strides = array<i32>} : memref<4x128xi32, #tpu.memory_space<vmem>>, vector<1x16xi32>,
    %get3A_261 = arith.constant 192 : index
    %get3A_262 = tpu.vector_load %arg5[%get3A_261] {strides = array<i32>} : memref<512xi32, #tpu.memory_space<vmem>>, vector<16xi32>,
    %get3A_263 = vector.shape_cast %get3A_262 : vector<16xi32> to vector<16xi32>
    %shift_right_arithmetic3A_264 = arith.constant 15 : i32
    %shift_right_arithmetic3A_265 = vector.broadcast %shift_right_arithmetic3A_264 : i32 to vector<16xi32>
    %shift_right_arithmetic3A_266 = arith.shrsi %get3A_263, %shift_right_arithmetic3A_265 : vector<16xi32>
    %shift_left3A_267 = arith.constant 13 : i32
    %shift_left3A_268 = vector.broadcast %shift_left3A_267 : i32 to vector<16xi32>
    %shift_left3A_269 = arith.shli %shift_right_arithmetic3A_266, %shift_left3A_268 : vector<16xi32>
    %and3A_270 = arith.constant 16383 : i32
    %and3A_271 = vector.broadcast %and3A_270 : i32 to vector<16xi32>
    %and3A_272 = arith.andi %get3A_263, %and3A_271 : vector<16xi32>
    %shift_right_arithmetic3A_273 = arith.constant 1 : i32
    %shift_right_arithmetic3A_274 = vector.broadcast %shift_right_arithmetic3A_273 : i32 to vector<16xi32>
    %shift_right_arithmetic3A_275 = arith.shrsi %and3A_272, %shift_right_arithmetic3A_274 : vector<16xi32>
    %or3A_276 = arith.ori %shift_left3A_269, %shift_right_arithmetic3A_275 : vector<16xi32>
    %swap3A_277 = arith.constant 1 : i32
    %swap3A_278 = arith.index_cast %swap3A_277 : i32 to index
    %swap3A_279 = arith.constant 64 : index
    %swap3A_280 = tpu.vector_load %arg6[%swap3A_278, %swap3A_279] {strides = array<i32>} : memref<4x128xi32, #tpu.memory_space<vmem>>, vector<1x16xi32>,
    %swap3A_281 = vector.shape_cast %swap3A_280 : vector<1x16xi32> to vector<16xi32>
    %swap3A_282 = vector.shape_cast %or3A_276 : vector<16xi32> to vector<1x16xi32>
    tpu.vector_store %arg6[%swap3A_278, %swap3A_279], %swap3A_282 {strides = array<i32>} : memref<4x128xi32, #tpu.memory_space<vmem>>, vector<1x16xi32>,
    %get3A_283 = arith.constant 208 : index
    %get3A_284 = tpu.vector_load %arg5[%get3A_283] {strides = array<i32>} : memref<512xi32, #tpu.memory_space<vmem>>, vector<16xi32>,
    %get3A_285 = vector.shape_cast %get3A_284 : vector<16xi32> to vector<16xi32>
    %shift_right_arithmetic3A_286 = arith.constant 15 : i32
    %shift_right_arithmetic3A_287 = vector.broadcast %shift_right_arithmetic3A_286 : i32 to vector<16xi32>
    %shift_right_arithmetic3A_288 = arith.shrsi %get3A_285, %shift_right_arithmetic3A_287 : vector<16xi32>
    %shift_left3A_289 = arith.constant 13 : i32
    %shift_left3A_290 = vector.broadcast %shift_left3A_289 : i32 to vector<16xi32>
    %shift_left3A_291 = arith.shli %shift_right_arithmetic3A_288, %shift_left3A_290 : vector<16xi32>
    %and3A_292 = arith.constant 16383 : i32
    %and3A_293 = vector.broadcast %and3A_292 : i32 to vector<16xi32>
    %and3A_294 = arith.andi %get3A_285, %and3A_293 : vector<16xi32>
    %shift_right_arithmetic3A_295 = arith.constant 1 : i32
    %shift_right_arithmetic3A_296 = vector.broadcast %shift_right_arithmetic3A_295 : i32 to vector<16xi32>
    %shift_right_arithmetic3A_297 = arith.shrsi %and3A_294, %shift_right_arithmetic3A_296 : vector<16xi32>
    %or3A_298 = arith.ori %shift_left3A_291, %shift_right_arithmetic3A_297 : vector<16xi32>
    %swap3A_299 = arith.constant 1 : i32
    %swap3A_300 = arith.index_cast %swap3A_299 : i32 to index
    %swap3A_301 = arith.constant 80 : index
    %swap3A_302 = tpu.vector_load %arg6[%swap3A_300, %swap3A_301] {strides = array<i32>} : memref<4x128xi32, #tpu.memory_space<vmem>>, vector<1x16xi32>,
    %swap3A_303 = vector.shape_cast %swap3A_302 : vector<1x16xi32> to vector<16xi32>
    %swap3A_304 = vector.shape_cast %or3A_298 : vector<16xi32> to vector<1x16xi32>
    tpu.vector_store %arg6[%swap3A_300, %swap3A_301], %swap3A_304 {strides = array<i32>} : memref<4x128xi32, #tpu.memory_space<vmem>>, vector<1x16xi32>,
    %get3A_305 = arith.constant 224 : index
    %get3A_306 = tpu.vector_load %arg5[%get3A_305] {strides = array<i32>} : memref<512xi32, #tpu.memory_space<vmem>>, vector<16xi32>,
    %get3A_307 = vector.shape_cast %get3A_306 : vector<16xi32> to vector<16xi32>
    %shift_right_arithmetic3A_308 = arith.constant 15 : i32
    %shift_right_arithmetic3A_309 = vector.broadcast %shift_right_arithmetic3A_308 : i32 to vector<16xi32>
    %shift_right_arithmetic3A_310 = arith.shrsi %get3A_307, %shift_right_arithmetic3A_309 : vector<16xi32>
    %shift_left3A_311 = arith.constant 13 : i32
    %shift_left3A_312 = vector.broadcast %shift_left3A_311 : i32 to vector<16xi32>
    %shift_left3A_313 = arith.shli %shift_right_arithmetic3A_310, %shift_left3A_312 : vector<16xi32>
    %and3A_314 = arith.constant 16383 : i32
    %and3A_315 = vector.broadcast %and3A_314 : i32 to vector<16xi32>
    %and3A_316 = arith.andi %get3A_307, %and3A_315 : vector<16xi32>
    %shift_right_arithmetic3A_317 = arith.constant 1 : i32
    %shift_right_arithmetic3A_318 = vector.broadcast %shift_right_arithmetic3A_317 : i32 to vector<16xi32>
    %shift_right_arithmetic3A_319 = arith.shrsi %and3A_316, %shift_right_arithmetic3A_318 : vector<16xi32>
    %or3A_320 = arith.ori %shift_left3A_313, %shift_right_arithmetic3A_319 : vector<16xi32>
    %swap3A_321 = arith.constant 1 : i32
    %swap3A_322 = arith.index_cast %swap3A_321 : i32 to index
    %swap3A_323 = arith.constant 96 : index
    %swap3A_324 = tpu.vector_load %arg6[%swap3A_322, %swap3A_323] {strides = array<i32>} : memref<4x128xi32, #tpu.memory_space<vmem>>, vector<1x16xi32>,
    %swap3A_325 = vector.shape_cast %swap3A_324 : vector<1x16xi32> to vector<16xi32>
    %swap3A_326 = vector.shape_cast %or3A_320 : vector<16xi32> to vector<1x16xi32>
    tpu.vector_store %arg6[%swap3A_322, %swap3A_323], %swap3A_326 {strides = array<i32>} : memref<4x128xi32, #tpu.memory_space<vmem>>, vector<1x16xi32>,
    %get3A_327 = arith.constant 240 : index
    %get3A_328 = tpu.vector_load %arg5[%get3A_327] {strides = array<i32>} : memref<512xi32, #tpu.memory_space<vmem>>, vector<16xi32>,
    %get3A_329 = vector.shape_cast %get3A_328 : vector<16xi32> to vector<16xi32>
    %shift_right_arithmetic3A_330 = arith.constant 15 : i32
    %shift_right_arithmetic3A_331 = vector.broadcast %shift_right_arithmetic3A_330 : i32 to vector<16xi32>
    %shift_right_arithmetic3A_332 = arith.shrsi %get3A_329, %shift_right_arithmetic3A_331 : vector<16xi32>
    %shift_left3A_333 = arith.constant 13 : i32
    %shift_left3A_334 = vector.broadcast %shift_left3A_333 : i32 to vector<16xi32>
    %shift_left3A_335 = arith.shli %shift_right_arithmetic3A_332, %shift_left3A_334 : vector<16xi32>
    %and3A_336 = arith.constant 16383 : i32
    %and3A_337 = vector.broadcast %and3A_336 : i32 to vector<16xi32>
    %and3A_338 = arith.andi %get3A_329, %and3A_337 : vector<16xi32>
    %shift_right_arithmetic3A_339 = arith.constant 1 : i32
    %shift_right_arithmetic3A_340 = vector.broadcast %shift_right_arithmetic3A_339 : i32 to vector<16xi32>
    %shift_right_arithmetic3A_341 = arith.shrsi %and3A_338, %shift_right_arithmetic3A_340 : vector<16xi32>
    %or3A_342 = arith.ori %shift_left3A_335, %shift_right_arithmetic3A_341 : vector<16xi32>
    %swap3A_343 = arith.constant 1 : i32
    %swap3A_344 = arith.index_cast %swap3A_343 : i32 to index
    %swap3A_345 = arith.constant 112 : index
    %swap3A_346 = tpu.vector_load %arg6[%swap3A_344, %swap3A_345] {strides = array<i32>} : memref<4x128xi32, #tpu.memory_space<vmem>>, vector<1x16xi32>,
    %swap3A_347 = vector.shape_cast %swap3A_346 : vector<1x16xi32> to vector<16xi32>
    %swap3A_348 = vector.shape_cast %or3A_342 : vector<16xi32> to vector<1x16xi32>
    tpu.vector_store %arg6[%swap3A_344, %swap3A_345], %swap3A_348 {strides = array<i32>} : memref<4x128xi32, #tpu.memory_space<vmem>>, vector<1x16xi32>,
    %get3A_349 = arith.constant 256 : index
    %get3A_350 = tpu.vector_load %arg5[%get3A_349] {strides = array<i32>} : memref<512xi32, #tpu.memory_space<vmem>>, vector<16xi32>,
    %get3A_351 = vector.shape_cast %get3A_350 : vector<16xi32> to vector<16xi32>
    %shift_right_arithmetic3A_352 = arith.constant 15 : i32
    %shift_right_arithmetic3A_353 = vector.broadcast %shift_right_arithmetic3A_352 : i32 to vector<16xi32>
    %shift_right_arithmetic3A_354 = arith.shrsi %get3A_351, %shift_right_arithmetic3A_353 : vector<16xi32>
    %shift_left3A_355 = arith.constant 13 : i32
    %shift_left3A_356 = vector.broadcast %shift_left3A_355 : i32 to vector<16xi32>
    %shift_left3A_357 = arith.shli %shift_right_arithmetic3A_354, %shift_left3A_356 : vector<16xi32>
    %and3A_358 = arith.constant 16383 : i32
    %and3A_359 = vector.broadcast %and3A_358 : i32 to vector<16xi32>
    %and3A_360 = arith.andi %get3A_351, %and3A_359 : vector<16xi32>
    %shift_right_arithmetic3A_361 = arith.constant 1 : i32
    %shift_right_arithmetic3A_362 = vector.broadcast %shift_right_arithmetic3A_361 : i32 to vector<16xi32>
    %shift_right_arithmetic3A_363 = arith.shrsi %and3A_360, %shift_right_arithmetic3A_362 : vector<16xi32>
    %or3A_364 = arith.ori %shift_left3A_357, %shift_right_arithmetic3A_363 : vector<16xi32>
    %swap3A_365 = arith.constant 2 : i32
    %swap3A_366 = arith.index_cast %swap3A_365 : i32 to index
    %swap3A_367 = arith.constant 0 : index
    %swap3A_368 = tpu.vector_load %arg6[%swap3A_366, %swap3A_367] {strides = array<i32>} : memref<4x128xi32, #tpu.memory_space<vmem>>, vector<1x16xi32>,
    %swap3A_369 = vector.shape_cast %swap3A_368 : vector<1x16xi32> to vector<16xi32>
    %swap3A_370 = vector.shape_cast %or3A_364 : vector<16xi32> to vector<1x16xi32>
    tpu.vector_store %arg6[%swap3A_366, %swap3A_367], %swap3A_370 {strides = array<i32>} : memref<4x128xi32, #tpu.memory_space<vmem>>, vector<1x16xi32>,
    %get3A_371 = arith.constant 272 : index
    %get3A_372 = tpu.vector_load %arg5[%get3A_371] {strides = array<i32>} : memref<512xi32, #tpu.memory_space<vmem>>, vector<16xi32>,
    %get3A_373 = vector.shape_cast %get3A_372 : vector<16xi32> to vector<16xi32>
    %shift_right_arithmetic3A_374 = arith.constant 15 : i32
    %shift_right_arithmetic3A_375 = vector.broadcast %shift_right_arithmetic3A_374 : i32 to vector<16xi32>
    %shift_right_arithmetic3A_376 = arith.shrsi %get3A_373, %shift_right_arithmetic3A_375 : vector<16xi32>
    %shift_left3A_377 = arith.constant 13 : i32
    %shift_left3A_378 = vector.broadcast %shift_left3A_377 : i32 to vector<16xi32>
    %shift_left3A_379 = arith.shli %shift_right_arithmetic3A_376, %shift_left3A_378 : vector<16xi32>
    %and3A_380 = arith.constant 16383 : i32
    %and3A_381 = vector.broadcast %and3A_380 : i32 to vector<16xi32>
    %and3A_382 = arith.andi %get3A_373, %and3A_381 : vector<16xi32>
    %shift_right_arithmetic3A_383 = arith.constant 1 : i32
    %shift_right_arithmetic3A_384 = vector.broadcast %shift_right_arithmetic3A_383 : i32 to vector<16xi32>
    %shift_right_arithmetic3A_385 = arith.shrsi %and3A_382, %shift_right_arithmetic3A_384 : vector<16xi32>
    %or3A_386 = arith.ori %shift_left3A_379, %shift_right_arithmetic3A_385 : vector<16xi32>
    %swap3A_387 = arith.constant 2 : i32
    %swap3A_388 = arith.index_cast %swap3A_387 : i32 to index
    %swap3A_389 = arith.constant 16 : index
    %swap3A_390 = tpu.vector_load %arg6[%swap3A_388, %swap3A_389] {strides = array<i32>} : memref<4x128xi32, #tpu.memory_space<vmem>>, vector<1x16xi32>,
    %swap3A_391 = vector.shape_cast %swap3A_390 : vector<1x16xi32> to vector<16xi32>
    %swap3A_392 = vector.shape_cast %or3A_386 : vector<16xi32> to vector<1x16xi32>
    tpu.vector_store %arg6[%swap3A_388, %swap3A_389], %swap3A_392 {strides = array<i32>} : memref<4x128xi32, #tpu.memory_space<vmem>>, vector<1x16xi32>,
    %get3A_393 = arith.constant 288 : index
    %get3A_394 = tpu.vector_load %arg5[%get3A_393] {strides = array<i32>} : memref<512xi32, #tpu.memory_space<vmem>>, vector<16xi32>,
    %get3A_395 = vector.shape_cast %get3A_394 : vector<16xi32> to vector<16xi32>
    %shift_right_arithmetic3A_396 = arith.constant 15 : i32
    %shift_right_arithmetic3A_397 = vector.broadcast %shift_right_arithmetic3A_396 : i32 to vector<16xi32>
    %shift_right_arithmetic3A_398 = arith.shrsi %get3A_395, %shift_right_arithmetic3A_397 : vector<16xi32>
    %shift_left3A_399 = arith.constant 13 : i32
    %shift_left3A_400 = vector.broadcast %shift_left3A_399 : i32 to vector<16xi32>
    %shift_left3A_401 = arith.shli %shift_right_arithmetic3A_398, %shift_left3A_400 : vector<16xi32>
    %and3A_402 = arith.constant 16383 : i32
    %and3A_403 = vector.broadcast %and3A_402 : i32 to vector<16xi32>
    %and3A_404 = arith.andi %get3A_395, %and3A_403 : vector<16xi32>
    %shift_right_arithmetic3A_405 = arith.constant 1 : i32
    %shift_right_arithmetic3A_406 = vector.broadcast %shift_right_arithmetic3A_405 : i32 to vector<16xi32>
    %shift_right_arithmetic3A_407 = arith.shrsi %and3A_404, %shift_right_arithmetic3A_406 : vector<16xi32>
    %or3A_408 = arith.ori %shift_left3A_401, %shift_right_arithmetic3A_407 : vector<16xi32>
    %swap3A_409 = arith.constant 2 : i32
    %swap3A_410 = arith.index_cast %swap3A_409 : i32 to index
    %swap3A_411 = arith.constant 32 : index
    %swap3A_412 = tpu.vector_load %arg6[%swap3A_410, %swap3A_411] {strides = array<i32>} : memref<4x128xi32, #tpu.memory_space<vmem>>, vector<1x16xi32>,
    %swap3A_413 = vector.shape_cast %swap3A_412 : vector<1x16xi32> to vector<16xi32>
    %swap3A_414 = vector.shape_cast %or3A_408 : vector<16xi32> to vector<1x16xi32>
    tpu.vector_store %arg6[%swap3A_410, %swap3A_411], %swap3A_414 {strides = array<i32>} : memref<4x128xi32, #tpu.memory_space<vmem>>, vector<1x16xi32>,
    %get3A_415 = arith.constant 304 : index
    %get3A_416 = tpu.vector_load %arg5[%get3A_415] {strides = array<i32>} : memref<512xi32, #tpu.memory_space<vmem>>, vector<16xi32>,
    %get3A_417 = vector.shape_cast %get3A_416 : vector<16xi32> to vector<16xi32>
    %shift_right_arithmetic3A_418 = arith.constant 15 : i32
    %shift_right_arithmetic3A_419 = vector.broadcast %shift_right_arithmetic3A_418 : i32 to vector<16xi32>
    %shift_right_arithmetic3A_420 = arith.shrsi %get3A_417, %shift_right_arithmetic3A_419 : vector<16xi32>
    %shift_left3A_421 = arith.constant 13 : i32
    %shift_left3A_422 = vector.broadcast %shift_left3A_421 : i32 to vector<16xi32>
    %shift_left3A_423 = arith.shli %shift_right_arithmetic3A_420, %shift_left3A_422 : vector<16xi32>
    %and3A_424 = arith.constant 16383 : i32
    %and3A_425 = vector.broadcast %and3A_424 : i32 to vector<16xi32>
    %and3A_426 = arith.andi %get3A_417, %and3A_425 : vector<16xi32>
    %shift_right_arithmetic3A_427 = arith.constant 1 : i32
    %shift_right_arithmetic3A_428 = vector.broadcast %shift_right_arithmetic3A_427 : i32 to vector<16xi32>
    %shift_right_arithmetic3A_429 = arith.shrsi %and3A_426, %shift_right_arithmetic3A_428 : vector<16xi32>
    %or3A_430 = arith.ori %shift_left3A_423, %shift_right_arithmetic3A_429 : vector<16xi32>
    %swap3A_431 = arith.constant 2 : i32
    %swap3A_432 = arith.index_cast %swap3A_431 : i32 to index
    %swap3A_433 = arith.constant 48 : index
    %swap3A_434 = tpu.vector_load %arg6[%swap3A_432, %swap3A_433] {strides = array<i32>} : memref<4x128xi32, #tpu.memory_space<vmem>>, vector<1x16xi32>,
    %swap3A_435 = vector.shape_cast %swap3A_434 : vector<1x16xi32> to vector<16xi32>
    %swap3A_436 = vector.shape_cast %or3A_430 : vector<16xi32> to vector<1x16xi32>
    tpu.vector_store %arg6[%swap3A_432, %swap3A_433], %swap3A_436 {strides = array<i32>} : memref<4x128xi32, #tpu.memory_space<vmem>>, vector<1x16xi32>,
    %get3A_437 = arith.constant 320 : index
    %get3A_438 = tpu.vector_load %arg5[%get3A_437] {strides = array<i32>} : memref<512xi32, #tpu.memory_space<vmem>>, vector<16xi32>,
    %get3A_439 = vector.shape_cast %get3A_438 : vector<16xi32> to vector<16xi32>
    %shift_right_arithmetic3A_440 = arith.constant 15 : i32
    %shift_right_arithmetic3A_441 = vector.broadcast %shift_right_arithmetic3A_440 : i32 to vector<16xi32>
    %shift_right_arithmetic3A_442 = arith.shrsi %get3A_439, %shift_right_arithmetic3A_441 : vector<16xi32>
    %shift_left3A_443 = arith.constant 13 : i32
    %shift_left3A_444 = vector.broadcast %shift_left3A_443 : i32 to vector<16xi32>
    %shift_left3A_445 = arith.shli %shift_right_arithmetic3A_442, %shift_left3A_444 : vector<16xi32>
    %and3A_446 = arith.constant 16383 : i32
    %and3A_447 = vector.broadcast %and3A_446 : i32 to vector<16xi32>
    %and3A_448 = arith.andi %get3A_439, %and3A_447 : vector<16xi32>
    %shift_right_arithmetic3A_449 = arith.constant 1 : i32
    %shift_right_arithmetic3A_450 = vector.broadcast %shift_right_arithmetic3A_449 : i32 to vector<16xi32>
    %shift_right_arithmetic3A_451 = arith.shrsi %and3A_448, %shift_right_arithmetic3A_450 : vector<16xi32>
    %or3A_452 = arith.ori %shift_left3A_445, %shift_right_arithmetic3A_451 : vector<16xi32>
    %swap3A_453 = arith.constant 2 : i32
    %swap3A_454 = arith.index_cast %swap3A_453 : i32 to index
    %swap3A_455 = arith.constant 64 : index
    %swap3A_456 = tpu.vector_load %arg6[%swap3A_454, %swap3A_455] {strides = array<i32>} : memref<4x128xi32, #tpu.memory_space<vmem>>, vector<1x16xi32>,
    %swap3A_457 = vector.shape_cast %swap3A_456 : vector<1x16xi32> to vector<16xi32>
    %swap3A_458 = vector.shape_cast %or3A_452 : vector<16xi32> to vector<1x16xi32>
    tpu.vector_store %arg6[%swap3A_454, %swap3A_455], %swap3A_458 {strides = array<i32>} : memref<4x128xi32, #tpu.memory_space<vmem>>, vector<1x16xi32>,
    %get3A_459 = arith.constant 336 : index
    %get3A_460 = tpu.vector_load %arg5[%get3A_459] {strides = array<i32>} : memref<512xi32, #tpu.memory_space<vmem>>, vector<16xi32>,
    %get3A_461 = vector.shape_cast %get3A_460 : vector<16xi32> to vector<16xi32>
    %shift_right_arithmetic3A_462 = arith.constant 15 : i32
    %shift_right_arithmetic3A_463 = vector.broadcast %shift_right_arithmetic3A_462 : i32 to vector<16xi32>
    %shift_right_arithmetic3A_464 = arith.shrsi %get3A_461, %shift_right_arithmetic3A_463 : vector<16xi32>
    %shift_left3A_465 = arith.constant 13 : i32
    %shift_left3A_466 = vector.broadcast %shift_left3A_465 : i32 to vector<16xi32>
    %shift_left3A_467 = arith.shli %shift_right_arithmetic3A_464, %shift_left3A_466 : vector<16xi32>
    %and3A_468 = arith.constant 16383 : i32
    %and3A_469 = vector.broadcast %and3A_468 : i32 to vector<16xi32>
    %and3A_470 = arith.andi %get3A_461, %and3A_469 : vector<16xi32>
    %shift_right_arithmetic3A_471 = arith.constant 1 : i32
    %shift_right_arithmetic3A_472 = vector.broadcast %shift_right_arithmetic3A_471 : i32 to vector<16xi32>
    %shift_right_arithmetic3A_473 = arith.shrsi %and3A_470, %shift_right_arithmetic3A_472 : vector<16xi32>
    %or3A_474 = arith.ori %shift_left3A_467, %shift_right_arithmetic3A_473 : vector<16xi32>
    %swap3A_475 = arith.constant 2 : i32
    %swap3A_476 = arith.index_cast %swap3A_475 : i32 to index
    %swap3A_477 = arith.constant 80 : index
    %swap3A_478 = tpu.vector_load %arg6[%swap3A_476, %swap3A_477] {strides = array<i32>} : memref<4x128xi32, #tpu.memory_space<vmem>>, vector<1x16xi32>,
    %swap3A_479 = vector.shape_cast %swap3A_478 : vector<1x16xi32> to vector<16xi32>
    %swap3A_480 = vector.shape_cast %or3A_474 : vector<16xi32> to vector<1x16xi32>
    tpu.vector_store %arg6[%swap3A_476, %swap3A_477], %swap3A_480 {strides = array<i32>} : memref<4x128xi32, #tpu.memory_space<vmem>>, vector<1x16xi32>,
    %get3A_481 = arith.constant 352 : index
    %get3A_482 = tpu.vector_load %arg5[%get3A_481] {strides = array<i32>} : memref<512xi32, #tpu.memory_space<vmem>>, vector<16xi32>,
    %get3A_483 = vector.shape_cast %get3A_482 : vector<16xi32> to vector<16xi32>
    %shift_right_arithmetic3A_484 = arith.constant 15 : i32
    %shift_right_arithmetic3A_485 = vector.broadcast %shift_right_arithmetic3A_484 : i32 to vector<16xi32>
    %shift_right_arithmetic3A_486 = arith.shrsi %get3A_483, %shift_right_arithmetic3A_485 : vector<16xi32>
    %shift_left3A_487 = arith.constant 13 : i32
    %shift_left3A_488 = vector.broadcast %shift_left3A_487 : i32 to vector<16xi32>
    %shift_left3A_489 = arith.shli %shift_right_arithmetic3A_486, %shift_left3A_488 : vector<16xi32>
    %and3A_490 = arith.constant 16383 : i32
    %and3A_491 = vector.broadcast %and3A_490 : i32 to vector<16xi32>
    %and3A_492 = arith.andi %get3A_483, %and3A_491 : vector<16xi32>
    %shift_right_arithmetic3A_493 = arith.constant 1 : i32
    %shift_right_arithmetic3A_494 = vector.broadcast %shift_right_arithmetic3A_493 : i32 to vector<16xi32>
    %shift_right_arithmetic3A_495 = arith.shrsi %and3A_492, %shift_right_arithmetic3A_494 : vector<16xi32>
    %or3A_496 = arith.ori %shift_left3A_489, %shift_right_arithmetic3A_495 : vector<16xi32>
    %swap3A_497 = arith.constant 2 : i32
    %swap3A_498 = arith.index_cast %swap3A_497 : i32 to index
    %swap3A_499 = arith.constant 96 : index
    %swap3A_500 = tpu.vector_load %arg6[%swap3A_498, %swap3A_499] {strides = array<i32>} : memref<4x128xi32, #tpu.memory_space<vmem>>, vector<1x16xi32>,
    %swap3A_501 = vector.shape_cast %swap3A_500 : vector<1x16xi32> to vector<16xi32>
    %swap3A_502 = vector.shape_cast %or3A_496 : vector<16xi32> to vector<1x16xi32>
    tpu.vector_store %arg6[%swap3A_498, %swap3A_499], %swap3A_502 {strides = array<i32>} : memref<4x128xi32, #tpu.memory_space<vmem>>, vector<1x16xi32>,
    %get3A_503 = arith.constant 368 : index
    %get3A_504 = tpu.vector_load %arg5[%get3A_503] {strides = array<i32>} : memref<512xi32, #tpu.memory_space<vmem>>, vector<16xi32>,
    %get3A_505 = vector.shape_cast %get3A_504 : vector<16xi32> to vector<16xi32>
    %shift_right_arithmetic3A_506 = arith.constant 15 : i32
    %shift_right_arithmetic3A_507 = vector.broadcast %shift_right_arithmetic3A_506 : i32 to vector<16xi32>
    %shift_right_arithmetic3A_508 = arith.shrsi %get3A_505, %shift_right_arithmetic3A_507 : vector<16xi32>
    %shift_left3A_509 = arith.constant 13 : i32
    %shift_left3A_510 = vector.broadcast %shift_left3A_509 : i32 to vector<16xi32>
    %shift_left3A_511 = arith.shli %shift_right_arithmetic3A_508, %shift_left3A_510 : vector<16xi32>
    %and3A_512 = arith.constant 16383 : i32
    %and3A_513 = vector.broadcast %and3A_512 : i32 to vector<16xi32>
    %and3A_514 = arith.andi %get3A_505, %and3A_513 : vector<16xi32>
    %shift_right_arithmetic3A_515 = arith.constant 1 : i32
    %shift_right_arithmetic3A_516 = vector.broadcast %shift_right_arithmetic3A_515 : i32 to vector<16xi32>
    %shift_right_arithmetic3A_517 = arith.shrsi %and3A_514, %shift_right_arithmetic3A_516 : vector<16xi32>
    %or3A_518 = arith.ori %shift_left3A_511, %shift_right_arithmetic3A_517 : vector<16xi32>
    %swap3A_519 = arith.constant 2 : i32
    %swap3A_520 = arith.index_cast %swap3A_519 : i32 to index
    %swap3A_521 = arith.constant 112 : index
    %swap3A_522 = tpu.vector_load %arg6[%swap3A_520, %swap3A_521] {strides = array<i32>} : memref<4x128xi32, #tpu.memory_space<vmem>>, vector<1x16xi32>,
    %swap3A_523 = vector.shape_cast %swap3A_522 : vector<1x16xi32> to vector<16xi32>
    %swap3A_524 = vector.shape_cast %or3A_518 : vector<16xi32> to vector<1x16xi32>
    tpu.vector_store %arg6[%swap3A_520, %swap3A_521], %swap3A_524 {strides = array<i32>} : memref<4x128xi32, #tpu.memory_space<vmem>>, vector<1x16xi32>,
    %get3A_525 = arith.constant 384 : index
    %get3A_526 = tpu.vector_load %arg5[%get3A_525] {strides = array<i32>} : memref<512xi32, #tpu.memory_space<vmem>>, vector<16xi32>,
    %get3A_527 = vector.shape_cast %get3A_526 : vector<16xi32> to vector<16xi32>
    %shift_right_arithmetic3A_528 = arith.constant 15 : i32
    %shift_right_arithmetic3A_529 = vector.broadcast %shift_right_arithmetic3A_528 : i32 to vector<16xi32>
    %shift_right_arithmetic3A_530 = arith.shrsi %get3A_527, %shift_right_arithmetic3A_529 : vector<16xi32>
    %shift_left3A_531 = arith.constant 13 : i32
    %shift_left3A_532 = vector.broadcast %shift_left3A_531 : i32 to vector<16xi32>
    %shift_left3A_533 = arith.shli %shift_right_arithmetic3A_530, %shift_left3A_532 : vector<16xi32>
    %and3A_534 = arith.constant 16383 : i32
    %and3A_535 = vector.broadcast %and3A_534 : i32 to vector<16xi32>
    %and3A_536 = arith.andi %get3A_527, %and3A_535 : vector<16xi32>
    %shift_right_arithmetic3A_537 = arith.constant 1 : i32
    %shift_right_arithmetic3A_538 = vector.broadcast %shift_right_arithmetic3A_537 : i32 to vector<16xi32>
    %shift_right_arithmetic3A_539 = arith.shrsi %and3A_536, %shift_right_arithmetic3A_538 : vector<16xi32>
    %or3A_540 = arith.ori %shift_left3A_533, %shift_right_arithmetic3A_539 : vector<16xi32>
    %swap3A_541 = arith.constant 3 : i32
    %swap3A_542 = arith.index_cast %swap3A_541 : i32 to index
    %swap3A_543 = arith.constant 0 : index
    %swap3A_544 = tpu.vector_load %arg6[%swap3A_542, %swap3A_543] {strides = array<i32>} : memref<4x128xi32, #tpu.memory_space<vmem>>, vector<1x16xi32>,
    %swap3A_545 = vector.shape_cast %swap3A_544 : vector<1x16xi32> to vector<16xi32>
    %swap3A_546 = vector.shape_cast %or3A_540 : vector<16xi32> to vector<1x16xi32>
    tpu.vector_store %arg6[%swap3A_542, %swap3A_543], %swap3A_546 {strides = array<i32>} : memref<4x128xi32, #tpu.memory_space<vmem>>, vector<1x16xi32>,
    %get3A_547 = arith.constant 400 : index
    %get3A_548 = tpu.vector_load %arg5[%get3A_547] {strides = array<i32>} : memref<512xi32, #tpu.memory_space<vmem>>, vector<16xi32>,
    %get3A_549 = vector.shape_cast %get3A_548 : vector<16xi32> to vector<16xi32>
    %shift_right_arithmetic3A_550 = arith.constant 15 : i32
    %shift_right_arithmetic3A_551 = vector.broadcast %shift_right_arithmetic3A_550 : i32 to vector<16xi32>
    %shift_right_arithmetic3A_552 = arith.shrsi %get3A_549, %shift_right_arithmetic3A_551 : vector<16xi32>
    %shift_left3A_553 = arith.constant 13 : i32
    %shift_left3A_554 = vector.broadcast %shift_left3A_553 : i32 to vector<16xi32>
    %shift_left3A_555 = arith.shli %shift_right_arithmetic3A_552, %shift_left3A_554 : vector<16xi32>
    %and3A_556 = arith.constant 16383 : i32
    %and3A_557 = vector.broadcast %and3A_556 : i32 to vector<16xi32>
    %and3A_558 = arith.andi %get3A_549, %and3A_557 : vector<16xi32>
    %shift_right_arithmetic3A_559 = arith.constant 1 : i32
    %shift_right_arithmetic3A_560 = vector.broadcast %shift_right_arithmetic3A_559 : i32 to vector<16xi32>
    %shift_right_arithmetic3A_561 = arith.shrsi %and3A_558, %shift_right_arithmetic3A_560 : vector<16xi32>
    %or3A_562 = arith.ori %shift_left3A_555, %shift_right_arithmetic3A_561 : vector<16xi32>
    %swap3A_563 = arith.constant 3 : i32
    %swap3A_564 = arith.index_cast %swap3A_563 : i32 to index
    %swap3A_565 = arith.constant 16 : index
    %swap3A_566 = tpu.vector_load %arg6[%swap3A_564, %swap3A_565] {strides = array<i32>} : memref<4x128xi32, #tpu.memory_space<vmem>>, vector<1x16xi32>,
    %swap3A_567 = vector.shape_cast %swap3A_566 : vector<1x16xi32> to vector<16xi32>
    %swap3A_568 = vector.shape_cast %or3A_562 : vector<16xi32> to vector<1x16xi32>
    tpu.vector_store %arg6[%swap3A_564, %swap3A_565], %swap3A_568 {strides = array<i32>} : memref<4x128xi32, #tpu.memory_space<vmem>>, vector<1x16xi32>,
    %get3A_569 = arith.constant 416 : index
    %get3A_570 = tpu.vector_load %arg5[%get3A_569] {strides = array<i32>} : memref<512xi32, #tpu.memory_space<vmem>>, vector<16xi32>,
    %get3A_571 = vector.shape_cast %get3A_570 : vector<16xi32> to vector<16xi32>
    %shift_right_arithmetic3A_572 = arith.constant 15 : i32
    %shift_right_arithmetic3A_573 = vector.broadcast %shift_right_arithmetic3A_572 : i32 to vector<16xi32>
    %shift_right_arithmetic3A_574 = arith.shrsi %get3A_571, %shift_right_arithmetic3A_573 : vector<16xi32>
    %shift_left3A_575 = arith.constant 13 : i32
    %shift_left3A_576 = vector.broadcast %shift_left3A_575 : i32 to vector<16xi32>
    %shift_left3A_577 = arith.shli %shift_right_arithmetic3A_574, %shift_left3A_576 : vector<16xi32>
    %and3A_578 = arith.constant 16383 : i32
    %and3A_579 = vector.broadcast %and3A_578 : i32 to vector<16xi32>
    %and3A_580 = arith.andi %get3A_571, %and3A_579 : vector<16xi32>
    %shift_right_arithmetic3A_581 = arith.constant 1 : i32
    %shift_right_arithmetic3A_582 = vector.broadcast %shift_right_arithmetic3A_581 : i32 to vector<16xi32>
    %shift_right_arithmetic3A_583 = arith.shrsi %and3A_580, %shift_right_arithmetic3A_582 : vector<16xi32>
    %or3A_584 = arith.ori %shift_left3A_577, %shift_right_arithmetic3A_583 : vector<16xi32>
    %swap3A_585 = arith.constant 3 : i32
    %swap3A_586 = arith.index_cast %swap3A_585 : i32 to index
    %swap3A_587 = arith.constant 32 : index
    %swap3A_588 = tpu.vector_load %arg6[%swap3A_586, %swap3A_587] {strides = array<i32>} : memref<4x128xi32, #tpu.memory_space<vmem>>, vector<1x16xi32>,
    %swap3A_589 = vector.shape_cast %swap3A_588 : vector<1x16xi32> to vector<16xi32>
    %swap3A_590 = vector.shape_cast %or3A_584 : vector<16xi32> to vector<1x16xi32>
    tpu.vector_store %arg6[%swap3A_586, %swap3A_587], %swap3A_590 {strides = array<i32>} : memref<4x128xi32, #tpu.memory_space<vmem>>, vector<1x16xi32>,
    %get3A_591 = arith.constant 432 : index
    %get3A_592 = tpu.vector_load %arg5[%get3A_591] {strides = array<i32>} : memref<512xi32, #tpu.memory_space<vmem>>, vector<16xi32>,
    %get3A_593 = vector.shape_cast %get3A_592 : vector<16xi32> to vector<16xi32>
    %shift_right_arithmetic3A_594 = arith.constant 15 : i32
    %shift_right_arithmetic3A_595 = vector.broadcast %shift_right_arithmetic3A_594 : i32 to vector<16xi32>
    %shift_right_arithmetic3A_596 = arith.shrsi %get3A_593, %shift_right_arithmetic3A_595 : vector<16xi32>
    %shift_left3A_597 = arith.constant 13 : i32
    %shift_left3A_598 = vector.broadcast %shift_left3A_597 : i32 to vector<16xi32>
    %shift_left3A_599 = arith.shli %shift_right_arithmetic3A_596, %shift_left3A_598 : vector<16xi32>
    %and3A_600 = arith.constant 16383 : i32
    %and3A_601 = vector.broadcast %and3A_600 : i32 to vector<16xi32>
    %and3A_602 = arith.andi %get3A_593, %and3A_601 : vector<16xi32>
    %shift_right_arithmetic3A_603 = arith.constant 1 : i32
    %shift_right_arithmetic3A_604 = vector.broadcast %shift_right_arithmetic3A_603 : i32 to vector<16xi32>
    %shift_right_arithmetic3A_605 = arith.shrsi %and3A_602, %shift_right_arithmetic3A_604 : vector<16xi32>
    %or3A_606 = arith.ori %shift_left3A_599, %shift_right_arithmetic3A_605 : vector<16xi32>
    %swap3A_607 = arith.constant 3 : i32
    %swap3A_608 = arith.index_cast %swap3A_607 : i32 to index
    %swap3A_609 = arith.constant 48 : index
    %swap3A_610 = tpu.vector_load %arg6[%swap3A_608, %swap3A_609] {strides = array<i32>} : memref<4x128xi32, #tpu.memory_space<vmem>>, vector<1x16xi32>,
    %swap3A_611 = vector.shape_cast %swap3A_610 : vector<1x16xi32> to vector<16xi32>
    %swap3A_612 = vector.shape_cast %or3A_606 : vector<16xi32> to vector<1x16xi32>
    tpu.vector_store %arg6[%swap3A_608, %swap3A_609], %swap3A_612 {strides = array<i32>} : memref<4x128xi32, #tpu.memory_space<vmem>>, vector<1x16xi32>,
    %get3A_613 = arith.constant 448 : index
    %get3A_614 = tpu.vector_load %arg5[%get3A_613] {strides = array<i32>} : memref<512xi32, #tpu.memory_space<vmem>>, vector<16xi32>,
    %get3A_615 = vector.shape_cast %get3A_614 : vector<16xi32> to vector<16xi32>
    %shift_right_arithmetic3A_616 = arith.constant 15 : i32
    %shift_right_arithmetic3A_617 = vector.broadcast %shift_right_arithmetic3A_616 : i32 to vector<16xi32>
    %shift_right_arithmetic3A_618 = arith.shrsi %get3A_615, %shift_right_arithmetic3A_617 : vector<16xi32>
    %shift_left3A_619 = arith.constant 13 : i32
    %shift_left3A_620 = vector.broadcast %shift_left3A_619 : i32 to vector<16xi32>
    %shift_left3A_621 = arith.shli %shift_right_arithmetic3A_618, %shift_left3A_620 : vector<16xi32>
    %and3A_622 = arith.constant 16383 : i32
    %and3A_623 = vector.broadcast %and3A_622 : i32 to vector<16xi32>
    %and3A_624 = arith.andi %get3A_615, %and3A_623 : vector<16xi32>
    %shift_right_arithmetic3A_625 = arith.constant 1 : i32
    %shift_right_arithmetic3A_626 = vector.broadcast %shift_right_arithmetic3A_625 : i32 to vector<16xi32>
    %shift_right_arithmetic3A_627 = arith.shrsi %and3A_624, %shift_right_arithmetic3A_626 : vector<16xi32>
    %or3A_628 = arith.ori %shift_left3A_621, %shift_right_arithmetic3A_627 : vector<16xi32>
    %swap3A_629 = arith.constant 3 : i32
    %swap3A_630 = arith.index_cast %swap3A_629 : i32 to index
    %swap3A_631 = arith.constant 64 : index
    %swap3A_632 = tpu.vector_load %arg6[%swap3A_630, %swap3A_631] {strides = array<i32>} : memref<4x128xi32, #tpu.memory_space<vmem>>, vector<1x16xi32>,
    %swap3A_633 = vector.shape_cast %swap3A_632 : vector<1x16xi32> to vector<16xi32>
    %swap3A_634 = vector.shape_cast %or3A_628 : vector<16xi32> to vector<1x16xi32>
    tpu.vector_store %arg6[%swap3A_630, %swap3A_631], %swap3A_634 {strides = array<i32>} : memref<4x128xi32, #tpu.memory_space<vmem>>, vector<1x16xi32>,
    %get3A_635 = arith.constant 464 : index
    %get3A_636 = tpu.vector_load %arg5[%get3A_635] {strides = array<i32>} : memref<512xi32, #tpu.memory_space<vmem>>, vector<16xi32>,
    %get3A_637 = vector.shape_cast %get3A_636 : vector<16xi32> to vector<16xi32>
    %shift_right_arithmetic3A_638 = arith.constant 15 : i32
    %shift_right_arithmetic3A_639 = vector.broadcast %shift_right_arithmetic3A_638 : i32 to vector<16xi32>
    %shift_right_arithmetic3A_640 = arith.shrsi %get3A_637, %shift_right_arithmetic3A_639 : vector<16xi32>
    %shift_left3A_641 = arith.constant 13 : i32
    %shift_left3A_642 = vector.broadcast %shift_left3A_641 : i32 to vector<16xi32>
    %shift_left3A_643 = arith.shli %shift_right_arithmetic3A_640, %shift_left3A_642 : vector<16xi32>
    %and3A_644 = arith.constant 16383 : i32
    %and3A_645 = vector.broadcast %and3A_644 : i32 to vector<16xi32>
    %and3A_646 = arith.andi %get3A_637, %and3A_645 : vector<16xi32>
    %shift_right_arithmetic3A_647 = arith.constant 1 : i32
    %shift_right_arithmetic3A_648 = vector.broadcast %shift_right_arithmetic3A_647 : i32 to vector<16xi32>
    %shift_right_arithmetic3A_649 = arith.shrsi %and3A_646, %shift_right_arithmetic3A_648 : vector<16xi32>
    %or3A_650 = arith.ori %shift_left3A_643, %shift_right_arithmetic3A_649 : vector<16xi32>
    %swap3A_651 = arith.constant 3 : i32
    %swap3A_652 = arith.index_cast %swap3A_651 : i32 to index
    %swap3A_653 = arith.constant 80 : index
    %swap3A_654 = tpu.vector_load %arg6[%swap3A_652, %swap3A_653] {strides = array<i32>} : memref<4x128xi32, #tpu.memory_space<vmem>>, vector<1x16xi32>,
    %swap3A_655 = vector.shape_cast %swap3A_654 : vector<1x16xi32> to vector<16xi32>
    %swap3A_656 = vector.shape_cast %or3A_650 : vector<16xi32> to vector<1x16xi32>
    tpu.vector_store %arg6[%swap3A_652, %swap3A_653], %swap3A_656 {strides = array<i32>} : memref<4x128xi32, #tpu.memory_space<vmem>>, vector<1x16xi32>,
    %get3A_657 = arith.constant 480 : index
    %get3A_658 = tpu.vector_load %arg5[%get3A_657] {strides = array<i32>} : memref<512xi32, #tpu.memory_space<vmem>>, vector<16xi32>,
    %get3A_659 = vector.shape_cast %get3A_658 : vector<16xi32> to vector<16xi32>
    %shift_right_arithmetic3A_660 = arith.constant 15 : i32
    %shift_right_arithmetic3A_661 = vector.broadcast %shift_right_arithmetic3A_660 : i32 to vector<16xi32>
    %shift_right_arithmetic3A_662 = arith.shrsi %get3A_659, %shift_right_arithmetic3A_661 : vector<16xi32>
    %shift_left3A_663 = arith.constant 13 : i32
    %shift_left3A_664 = vector.broadcast %shift_left3A_663 : i32 to vector<16xi32>
    %shift_left3A_665 = arith.shli %shift_right_arithmetic3A_662, %shift_left3A_664 : vector<16xi32>
    %and3A_666 = arith.constant 16383 : i32
    %and3A_667 = vector.broadcast %and3A_666 : i32 to vector<16xi32>
    %and3A_668 = arith.andi %get3A_659, %and3A_667 : vector<16xi32>
    %shift_right_arithmetic3A_669 = arith.constant 1 : i32
    %shift_right_arithmetic3A_670 = vector.broadcast %shift_right_arithmetic3A_669 : i32 to vector<16xi32>
    %shift_right_arithmetic3A_671 = arith.shrsi %and3A_668, %shift_right_arithmetic3A_670 : vector<16xi32>
    %or3A_672 = arith.ori %shift_left3A_665, %shift_right_arithmetic3A_671 : vector<16xi32>
    %swap3A_673 = arith.constant 3 : i32
    %swap3A_674 = arith.index_cast %swap3A_673 : i32 to index
    %swap3A_675 = arith.constant 96 : index
    %swap3A_676 = tpu.vector_load %arg6[%swap3A_674, %swap3A_675] {strides = array<i32>} : memref<4x128xi32, #tpu.memory_space<vmem>>, vector<1x16xi32>,
    %swap3A_677 = vector.shape_cast %swap3A_676 : vector<1x16xi32> to vector<16xi32>
    %swap3A_678 = vector.shape_cast %or3A_672 : vector<16xi32> to vector<1x16xi32>
    tpu.vector_store %arg6[%swap3A_674, %swap3A_675], %swap3A_678 {strides = array<i32>} : memref<4x128xi32, #tpu.memory_space<vmem>>, vector<1x16xi32>,
    %get3A_679 = arith.constant 496 : index
    %get3A_680 = tpu.vector_load %arg5[%get3A_679] {strides = array<i32>} : memref<512xi32, #tpu.memory_space<vmem>>, vector<16xi32>,
    %get3A_681 = vector.shape_cast %get3A_680 : vector<16xi32> to vector<16xi32>
    %shift_right_arithmetic3A_682 = arith.constant 15 : i32
    %shift_right_arithmetic3A_683 = vector.broadcast %shift_right_arithmetic3A_682 : i32 to vector<16xi32>
    %shift_right_arithmetic3A_684 = arith.shrsi %get3A_681, %shift_right_arithmetic3A_683 : vector<16xi32>
    %shift_left3A_685 = arith.constant 13 : i32
    %shift_left3A_686 = vector.broadcast %shift_left3A_685 : i32 to vector<16xi32>
    %shift_left3A_687 = arith.shli %shift_right_arithmetic3A_684, %shift_left3A_686 : vector<16xi32>
    %and3A_688 = arith.constant 16383 : i32
    %and3A_689 = vector.broadcast %and3A_688 : i32 to vector<16xi32>
    %and3A_690 = arith.andi %get3A_681, %and3A_689 : vector<16xi32>
    %shift_right_arithmetic3A_691 = arith.constant 1 : i32
    %shift_right_arithmetic3A_692 = vector.broadcast %shift_right_arithmetic3A_691 : i32 to vector<16xi32>
    %shift_right_arithmetic3A_693 = arith.shrsi %and3A_690, %shift_right_arithmetic3A_692 : vector<16xi32>
    %or3A_694 = arith.ori %shift_left3A_687, %shift_right_arithmetic3A_693 : vector<16xi32>
    %swap3A_695 = arith.constant 3 : i32
    %swap3A_696 = arith.index_cast %swap3A_695 : i32 to index
    %swap3A_697 = arith.constant 112 : index
    %swap3A_698 = tpu.vector_load %arg6[%swap3A_696, %swap3A_697] {strides = array<i32>} : memref<4x128xi32, #tpu.memory_space<vmem>>, vector<1x16xi32>,
    %swap3A_699 = vector.shape_cast %swap3A_698 : vector<1x16xi32> to vector<16xi32>
    %swap3A_700 = vector.shape_cast %or3A_694 : vector<16xi32> to vector<1x16xi32>
    tpu.vector_store %arg6[%swap3A_696, %swap3A_697], %swap3A_700 {strides = array<i32>} : memref<4x128xi32, #tpu.memory_space<vmem>>, vector<1x16xi32>,
    %dma_start3A = arith.constant 0 : i32
    %dma_start3A_701 = arith.constant 0 : i32
    %dma_start3A_702 = arith.constant 0 : i32
    %dma_start3A_703 = tpu.memref_slice %arg7[%dma_start3A_701, %dma_start3A_702] : memref<512x128xf32, #tpu.memory_space<vmem>> -> memref<128x128xf32, #tpu.memory_space<vmem>>
    %dma_start3A_704 = arith.constant 0 : i32
    %dma_start3A_705 = tpu.memref_slice %arg6[%dma_start3A, %dma_start3A_704] : memref<4x128xi32, #tpu.memory_space<vmem>> -> memref<1x128xi32, #tpu.memory_space<vmem>>
    %dma_start3A_706 = tpu.memref_squeeze %dma_start3A_705 : memref<1x128xi32, #tpu.memory_space<vmem>> -> memref<128xi32, #tpu.memory_space<vmem>>
    %dma_start3A_707 = arith.constant 0 : i32
    %dma_start3A_708 = arith.constant 0 : i32
    %dma_start3A_709 = tpu.memref_slice %arg2[%dma_start3A_707, %dma_start3A_708] : memref<253952x128xf32, #tpu.memory_space<hbm>> -> memref<253952x128xf32, #tpu.memory_space<hbm>>
    tpu.enqueue_indirect_dma source(%dma_start3A_709 : memref<253952x128xf32, #tpu.memory_space<hbm>>) target(%dma_start3A_703 : memref<128x128xf32, #tpu.memory_space<vmem>>) offsets(%dma_start3A_706 : memref<128xi32, #tpu.memory_space<vmem>>) semaphore(%arg8 : memref<!tpu.dma_semaphore, #tpu.memory_space<semaphore_mem>>)
    %dma_start3A_710 = arith.constant 1 : i32
    %dma_start3A_711 = arith.constant 128 : i32
    %dma_start3A_712 = arith.constant 0 : i32
    %dma_start3A_713 = tpu.memref_slice %arg7[%dma_start3A_711, %dma_start3A_712] : memref<512x128xf32, #tpu.memory_space<vmem>> -> memref<128x128xf32, #tpu.memory_space<vmem>>
    %dma_start3A_714 = arith.constant 0 : i32
    %dma_start3A_715 = tpu.memref_slice %arg6[%dma_start3A_710, %dma_start3A_714] : memref<4x128xi32, #tpu.memory_space<vmem>> -> memref<1x128xi32, #tpu.memory_space<vmem>>
    %dma_start3A_716 = tpu.memref_squeeze %dma_start3A_715 : memref<1x128xi32, #tpu.memory_space<vmem>> -> memref<128xi32, #tpu.memory_space<vmem>>
    %dma_start3A_717 = arith.constant 0 : i32
    %dma_start3A_718 = arith.constant 0 : i32
    %dma_start3A_719 = tpu.memref_slice %arg2[%dma_start3A_717, %dma_start3A_718] : memref<253952x128xf32, #tpu.memory_space<hbm>> -> memref<253952x128xf32, #tpu.memory_space<hbm>>
    tpu.enqueue_indirect_dma source(%dma_start3A_719 : memref<253952x128xf32, #tpu.memory_space<hbm>>) target(%dma_start3A_713 : memref<128x128xf32, #tpu.memory_space<vmem>>) offsets(%dma_start3A_716 : memref<128xi32, #tpu.memory_space<vmem>>) semaphore(%arg8 : memref<!tpu.dma_semaphore, #tpu.memory_space<semaphore_mem>>)
    %dma_start3A_720 = arith.constant 2 : i32
    %dma_start3A_721 = arith.constant 256 : i32
    %dma_start3A_722 = arith.constant 0 : i32
    %dma_start3A_723 = tpu.memref_slice %arg7[%dma_start3A_721, %dma_start3A_722] : memref<512x128xf32, #tpu.memory_space<vmem>> -> memref<128x128xf32, #tpu.memory_space<vmem>>
    %dma_start3A_724 = arith.constant 0 : i32
    %dma_start3A_725 = tpu.memref_slice %arg6[%dma_start3A_720, %dma_start3A_724] : memref<4x128xi32, #tpu.memory_space<vmem>> -> memref<1x128xi32, #tpu.memory_space<vmem>>
    %dma_start3A_726 = tpu.memref_squeeze %dma_start3A_725 : memref<1x128xi32, #tpu.memory_space<vmem>> -> memref<128xi32, #tpu.memory_space<vmem>>
    %dma_start3A_727 = arith.constant 0 : i32
    %dma_start3A_728 = arith.constant 0 : i32
    %dma_start3A_729 = tpu.memref_slice %arg2[%dma_start3A_727, %dma_start3A_728] : memref<253952x128xf32, #tpu.memory_space<hbm>> -> memref<253952x128xf32, #tpu.memory_space<hbm>>
    tpu.enqueue_indirect_dma source(%dma_start3A_729 : memref<253952x128xf32, #tpu.memory_space<hbm>>) target(%dma_start3A_723 : memref<128x128xf32, #tpu.memory_space<vmem>>) offsets(%dma_start3A_726 : memref<128xi32, #tpu.memory_space<vmem>>) semaphore(%arg8 : memref<!tpu.dma_semaphore, #tpu.memory_space<semaphore_mem>>)
    %dma_start3A_730 = arith.constant 3 : i32
    %dma_start3A_731 = arith.constant 384 : i32
    %dma_start3A_732 = arith.constant 0 : i32
    %dma_start3A_733 = tpu.memref_slice %arg7[%dma_start3A_731, %dma_start3A_732] : memref<512x128xf32, #tpu.memory_space<vmem>> -> memref<128x128xf32, #tpu.memory_space<vmem>>
    %dma_start3A_734 = arith.constant 0 : i32
    %dma_start3A_735 = tpu.memref_slice %arg6[%dma_start3A_730, %dma_start3A_734] : memref<4x128xi32, #tpu.memory_space<vmem>> -> memref<1x128xi32, #tpu.memory_space<vmem>>
    %dma_start3A_736 = tpu.memref_squeeze %dma_start3A_735 : memref<1x128xi32, #tpu.memory_space<vmem>> -> memref<128xi32, #tpu.memory_space<vmem>>
    %dma_start3A_737 = arith.constant 0 : i32
    %dma_start3A_738 = arith.constant 0 : i32
    %dma_start3A_739 = tpu.memref_slice %arg2[%dma_start3A_737, %dma_start3A_738] : memref<253952x128xf32, #tpu.memory_space<hbm>> -> memref<253952x128xf32, #tpu.memory_space<hbm>>
    tpu.enqueue_indirect_dma source(%dma_start3A_739 : memref<253952x128xf32, #tpu.memory_space<hbm>>) target(%dma_start3A_733 : memref<128x128xf32, #tpu.memory_space<vmem>>) offsets(%dma_start3A_736 : memref<128xi32, #tpu.memory_space<vmem>>) semaphore(%arg8 : memref<!tpu.dma_semaphore, #tpu.memory_space<semaphore_mem>>)
    %dma_wait3A = arith.constant 0 : i32
    %dma_wait3A_740 = arith.constant 0 : i32
    %dma_wait3A_741 = arith.constant 0 : i32
    %dma_wait3A_742 = tpu.memref_slice %arg7[%dma_wait3A_740, %dma_wait3A_741] : memref<512x128xf32, #tpu.memory_space<vmem>> -> memref<128x128xf32, #tpu.memory_space<vmem>>
    %dma_wait3A_743 = arith.constant 0 : i32
    %dma_wait3A_744 = tpu.memref_slice %arg6[%dma_wait3A, %dma_wait3A_743] : memref<4x128xi32, #tpu.memory_space<vmem>> -> memref<1x128xi32, #tpu.memory_space<vmem>>
    %dma_wait3A_745 = tpu.memref_squeeze %dma_wait3A_744 : memref<1x128xi32, #tpu.memory_space<vmem>> -> memref<128xi32, #tpu.memory_space<vmem>>
    %dma_wait3A_746 = arith.constant 0 : i32
    %dma_wait3A_747 = arith.constant 0 : i32
    %dma_wait3A_748 = tpu.memref_slice %arg2[%dma_wait3A_746, %dma_wait3A_747] : memref<253952x128xf32, #tpu.memory_space<hbm>> -> memref<253952x128xf32, #tpu.memory_space<hbm>>
    tpu.wait_indirect_dma semaphore(%arg8 : memref<!tpu.dma_semaphore, #tpu.memory_space<semaphore_mem>>) src(%dma_wait3A_748 : memref<253952x128xf32, #tpu.memory_space<hbm>>) dst(%dma_wait3A_742 : memref<128x128xf32, #tpu.memory_space<vmem>>)
    %dma_wait3A_749 = arith.constant 1 : i32
    %dma_wait3A_750 = arith.constant 128 : i32
    %dma_wait3A_751 = arith.constant 0 : i32
    %dma_wait3A_752 = tpu.memref_slice %arg7[%dma_wait3A_750, %dma_wait3A_751] : memref<512x128xf32, #tpu.memory_space<vmem>> -> memref<128x128xf32, #tpu.memory_space<vmem>>
    %dma_wait3A_753 = arith.constant 0 : i32
    %dma_wait3A_754 = tpu.memref_slice %arg6[%dma_wait3A_749, %dma_wait3A_753] : memref<4x128xi32, #tpu.memory_space<vmem>> -> memref<1x128xi32, #tpu.memory_space<vmem>>
    %dma_wait3A_755 = tpu.memref_squeeze %dma_wait3A_754 : memref<1x128xi32, #tpu.memory_space<vmem>> -> memref<128xi32, #tpu.memory_space<vmem>>
    %dma_wait3A_756 = arith.constant 0 : i32
    %dma_wait3A_757 = arith.constant 0 : i32
    %dma_wait3A_758 = tpu.memref_slice %arg2[%dma_wait3A_756, %dma_wait3A_757] : memref<253952x128xf32, #tpu.memory_space<hbm>> -> memref<253952x128xf32, #tpu.memory_space<hbm>>
    tpu.wait_indirect_dma semaphore(%arg8 : memref<!tpu.dma_semaphore, #tpu.memory_space<semaphore_mem>>) src(%dma_wait3A_758 : memref<253952x128xf32, #tpu.memory_space<hbm>>) dst(%dma_wait3A_752 : memref<128x128xf32, #tpu.memory_space<vmem>>)
    %dma_wait3A_759 = arith.constant 2 : i32
    %dma_wait3A_760 = arith.constant 256 : i32
    %dma_wait3A_761 = arith.constant 0 : i32
    %dma_wait3A_762 = tpu.memref_slice %arg7[%dma_wait3A_760, %dma_wait3A_761] : memref<512x128xf32, #tpu.memory_space<vmem>> -> memref<128x128xf32, #tpu.memory_space<vmem>>
    %dma_wait3A_763 = arith.constant 0 : i32
    %dma_wait3A_764 = tpu.memref_slice %arg6[%dma_wait3A_759, %dma_wait3A_763] : memref<4x128xi32, #tpu.memory_space<vmem>> -> memref<1x128xi32, #tpu.memory_space<vmem>>
    %dma_wait3A_765 = tpu.memref_squeeze %dma_wait3A_764 : memref<1x128xi32, #tpu.memory_space<vmem>> -> memref<128xi32, #tpu.memory_space<vmem>>
    %dma_wait3A_766 = arith.constant 0 : i32
    %dma_wait3A_767 = arith.constant 0 : i32
    %dma_wait3A_768 = tpu.memref_slice %arg2[%dma_wait3A_766, %dma_wait3A_767] : memref<253952x128xf32, #tpu.memory_space<hbm>> -> memref<253952x128xf32, #tpu.memory_space<hbm>>
    tpu.wait_indirect_dma semaphore(%arg8 : memref<!tpu.dma_semaphore, #tpu.memory_space<semaphore_mem>>) src(%dma_wait3A_768 : memref<253952x128xf32, #tpu.memory_space<hbm>>) dst(%dma_wait3A_762 : memref<128x128xf32, #tpu.memory_space<vmem>>)
    %dma_wait3A_769 = arith.constant 3 : i32
    %dma_wait3A_770 = arith.constant 384 : i32
    %dma_wait3A_771 = arith.constant 0 : i32
    %dma_wait3A_772 = tpu.memref_slice %arg7[%dma_wait3A_770, %dma_wait3A_771] : memref<512x128xf32, #tpu.memory_space<vmem>> -> memref<128x128xf32, #tpu.memory_space<vmem>>
    %dma_wait3A_773 = arith.constant 0 : i32
    %dma_wait3A_774 = tpu.memref_slice %arg6[%dma_wait3A_769, %dma_wait3A_773] : memref<4x128xi32, #tpu.memory_space<vmem>> -> memref<1x128xi32, #tpu.memory_space<vmem>>
    %dma_wait3A_775 = tpu.memref_squeeze %dma_wait3A_774 : memref<1x128xi32, #tpu.memory_space<vmem>> -> memref<128xi32, #tpu.memory_space<vmem>>
    %dma_wait3A_776 = arith.constant 0 : i32
    %dma_wait3A_777 = arith.constant 0 : i32
    %dma_wait3A_778 = tpu.memref_slice %arg2[%dma_wait3A_776, %dma_wait3A_777] : memref<253952x128xf32, #tpu.memory_space<hbm>> -> memref<253952x128xf32, #tpu.memory_space<hbm>>
    tpu.wait_indirect_dma semaphore(%arg8 : memref<!tpu.dma_semaphore, #tpu.memory_space<semaphore_mem>>) src(%dma_wait3A_778 : memref<253952x128xf32, #tpu.memory_space<hbm>>) dst(%dma_wait3A_772 : memref<128x128xf32, #tpu.memory_space<vmem>>)
    "tpu.region"() ({
      %run_scoped3A = tpu.sem_alloc : memref<!tpu.dma_semaphore, #tpu.memory_space<semaphore_mem>>
      %dma_start3A_779 = arith.constant 0 : i32
      %dma_start3A_780 = tpu.memref_slice %arg4[%mul3A_2, %dma_start3A_779] : memref<16384x128xf32, #tpu.memory_space<hbm>> -> memref<512x128xf32, #tpu.memory_space<hbm>>
      %dma_start3A_781 = arith.constant 0 : i32
      %dma_start3A_782 = tpu.memref_slice %arg4[%mul3A_2, %dma_start3A_781] : memref<16384x128xf32, #tpu.memory_space<hbm>> -> memref<512x128xf32, #tpu.memory_space<hbm>>
      tpu.enqueue_dma source(%arg7 : memref<512x128xf32, #tpu.memory_space<vmem>>) target(%dma_start3A_782 : memref<512x128xf32, #tpu.memory_space<hbm>>) target_semaphore(%run_scoped3A : memref<!tpu.dma_semaphore, #tpu.memory_space<semaphore_mem>>)
      %dma_wait3A_783 = arith.constant 0 : i32
      %dma_wait3A_784 = tpu.memref_slice %arg4[%mul3A_2, %dma_wait3A_783] : memref<16384x128xf32, #tpu.memory_space<hbm>> -> memref<512x128xf32, #tpu.memory_space<hbm>>
      %dma_wait3A_785 = arith.constant 0 : i32
      %dma_wait3A_786 = tpu.memref_slice %arg4[%mul3A_2, %dma_wait3A_785] : memref<16384x128xf32, #tpu.memory_space<hbm>> -> memref<512x128xf32, #tpu.memory_space<hbm>>
      tpu.wait_dma2 semaphore(%run_scoped3A : memref<!tpu.dma_semaphore, #tpu.memory_space<semaphore_mem>>) src(%arg7 : memref<512x128xf32, #tpu.memory_space<vmem>>) dst(%dma_wait3A_786 : memref<512x128xf32, #tpu.memory_space<hbm>>)
      tpu.yield
    }) : () -> ()
    return
  }
}

module attributes {stable_mosaic.version = 14 : i64} {
  func.func @_transpose_body(%arg0: i32, %arg1: memref<64x32768xf32, #tpu.memory_space<vmem>>, %arg2: memref<8192x128xf32, #tpu.memory_space<vmem>>) attributes {dimension_semantics = [#tpu.dimension_semantics<arbitrary>], iteration_bounds = array<i64: 31>, scalar_prefetch = 0 : i64, scratch_operands = 0 : i64, tpu.core_type = #tpu.core_type<tc>, window_params = [{transform_indices = @transform_0, window_bounds = array<i64: 64, 32768>}, {transform_indices = @transform_1, window_bounds = array<i64: 8192, 128>}]} {
    %get3A = arith.constant 0 : index
    %get3A_0 = arith.constant 0 : index
    %get3A_1 = vector.load %arg1[%get3A, %get3A_0] : memref<64x32768xf32, #tpu.memory_space<vmem>>, vector<64x32768xf32>
    %convert_element_type3A = arith.truncf %get3A_1 : vector<64x32768xf32> to vector<64x32768xbf16>
    %transpose3A = tpu.transpose %convert_element_type3A, [1, 0] : vector<64x32768xbf16> -> vector<32768x64xbf16>
    %bitcast3A = tpu.bitcast %transpose3A : vector<32768x64xbf16> -> vector<16384x64xf32>
    %slice3A = vector.extract_strided_slice %bitcast3A {offsets = [0, 0], sizes = [8192, 64], strides = [1, 1]} : vector<16384x64xf32> to vector<8192x64xf32>
    %swap3A = arith.constant 0 : index
    %swap3A_2 = arith.constant 0 : index
    %swap3A_3 = vector.load %arg2[%swap3A, %swap3A_2] : memref<8192x128xf32, #tpu.memory_space<vmem>>, vector<8192x64xf32>
    tpu.vector_store %arg2[%swap3A, %swap3A_2], %slice3A {strides = array<i32>} : memref<8192x128xf32, #tpu.memory_space<vmem>>, vector<8192x64xf32>,
    %slice3A_4 = vector.extract_strided_slice %bitcast3A {offsets = [8192, 0], sizes = [8192, 64], strides = [1, 1]} : vector<16384x64xf32> to vector<8192x64xf32>
    %swap3A_5 = arith.constant 0 : index
    %swap3A_6 = arith.constant 64 : index
    %swap3A_7 = vector.load %arg2[%swap3A_5, %swap3A_6] : memref<8192x128xf32, #tpu.memory_space<vmem>>, vector<8192x64xf32>
    tpu.vector_store %arg2[%swap3A_5, %swap3A_6], %slice3A_4 {strides = array<i32>} : memref<8192x128xf32, #tpu.memory_space<vmem>>, vector<8192x64xf32>,
    return
  }
  func.func @transform_0(%arg0: i32) -> (i32, i32) {
    %c0_i32 = arith.constant 0 : i32
    %c0_i32_0 = arith.constant 0 : i32
    return %c0_i32, %arg0 : i32, i32
  }
  func.func @transform_1(%arg0: i32) -> (i32, i32) {
    %c0_i32 = arith.constant 0 : i32
    %c0_i32_0 = arith.constant 0 : i32
    return %arg0, %c0_i32 : i32, i32
  }
}

module attributes {stable_mosaic.version = 14 : i64} {
  func.func @_mlp_body(%arg0: i32, %arg1: memref<4096x128xf32, #tpu.memory_space<vmem>>, %arg2: memref<4096x1xi32, #tpu.memory_space<vmem>>, %arg3: memref<64x128xf32, #tpu.memory_space<vmem>>, %arg4: memref<1x128xf32, #tpu.memory_space<vmem>>, %arg5: memref<1x128xf32, #tpu.memory_space<vmem>>, %arg6: memref<1x128xf32, #tpu.memory_space<vmem>>, %arg7: memref<128x128xf32, #tpu.memory_space<vmem>>, %arg8: memref<1x128xf32, #tpu.memory_space<vmem>>, %arg9: memref<4096x128xf32, #tpu.memory_space<vmem>>) attributes {dimension_semantics = [#tpu.dimension_semantics<arbitrary>], iteration_bounds = array<i64: 4>, scalar_prefetch = 0 : i64, scratch_operands = 0 : i64, tpu.core_type = #tpu.core_type<tc>, window_params = [{transform_indices = @transform_0, window_bounds = array<i64: 4096, 128>}, {transform_indices = @transform_1, window_bounds = array<i64: 4096, 1>}, {pipeline_mode = #tpu.pipeline_mode<synchronous>, transform_indices = @transform_2, window_bounds = array<i64: 64, 128>}, {pipeline_mode = #tpu.pipeline_mode<synchronous>, transform_indices = @transform_3, window_bounds = array<i64: 1, 128>}, {pipeline_mode = #tpu.pipeline_mode<synchronous>, transform_indices = @transform_4, window_bounds = array<i64: 1, 128>}, {pipeline_mode = #tpu.pipeline_mode<synchronous>, transform_indices = @transform_5, window_bounds = array<i64: 1, 128>}, {pipeline_mode = #tpu.pipeline_mode<synchronous>, transform_indices = @transform_6, window_bounds = array<i64: 128, 128>}, {pipeline_mode = #tpu.pipeline_mode<synchronous>, transform_indices = @transform_7, window_bounds = array<i64: 1, 128>}, {transform_indices = @transform_8, window_bounds = array<i64: 4096, 128>}]} {
    %get3A = arith.constant 0 : index
    %get3A_0 = arith.constant 0 : index
    %get3A_1 = vector.load %arg2[%get3A, %get3A_0] : memref<4096x1xi32, #tpu.memory_space<vmem>>, vector<4096x1xi32>
    %shift_right_arithmetic3A = arith.constant 14 : i32
    %shift_right_arithmetic3A_2 = vector.broadcast %shift_right_arithmetic3A : i32 to vector<4096x1xi32>
    %shift_right_arithmetic3A_3 = arith.shrsi %get3A_1, %shift_right_arithmetic3A_2 : vector<4096x1xi32>
    %and3A = arith.constant 1 : i32
    %and3A_4 = vector.broadcast %and3A : i32 to vector<4096x1xi32>
    %and3A_5 = arith.andi %shift_right_arithmetic3A_3, %and3A_4 : vector<4096x1xi32>
    %and3A_6 = arith.constant 1 : i32
    %and3A_7 = vector.broadcast %and3A_6 : i32 to vector<4096x1xi32>
    %and3A_8 = arith.andi %get3A_1, %and3A_7 : vector<4096x1xi32>
    %gt3A = arith.constant 0 : i32
    %gt3A_9 = vector.broadcast %gt3A : i32 to vector<4096x1xi32>
    %gt3A_10 = arith.cmpi sgt, %and3A_5, %gt3A_9 : vector<4096x1xi32>
    %get3A_11 = arith.constant 0 : index
    %get3A_12 = arith.constant 64 : index
    %get3A_13 = vector.load %arg1[%get3A_11, %get3A_12] : memref<4096x128xf32, #tpu.memory_space<vmem>>, vector<4096x64xf32>
    %get3A_14 = arith.constant 0 : index
    %get3A_15 = arith.constant 0 : index
    %get3A_16 = vector.load %arg1[%get3A_14, %get3A_15] : memref<4096x128xf32, #tpu.memory_space<vmem>>, vector<4096x64xf32>
    %broadcast_in_dim3A = vector.shape_cast %gt3A_10 : vector<4096x1xi1> to vector<4096x1xi1>
    %broadcast_in_dim3A_17 = vector.broadcast %broadcast_in_dim3A : vector<4096x1xi1> to vector<4096x64xi1>
    %select_n3A = arith.select %broadcast_in_dim3A_17, %get3A_13, %get3A_16 : vector<4096x64xi1>, vector<4096x64xf32>
    %bitcast_convert_type3A = tpu.bitcast %select_n3A : vector<4096x64xf32> -> vector<4096x64xi32>
    %gt3A_18 = arith.constant 0 : i32
    %gt3A_19 = vector.broadcast %gt3A_18 : i32 to vector<4096x1xi32>
    %gt3A_20 = arith.cmpi sgt, %and3A_8, %gt3A_19 : vector<4096x1xi32>
    %and3A_21 = arith.constant -65536 : i32
    %and3A_22 = vector.broadcast %and3A_21 : i32 to vector<4096x64xi32>
    %and3A_23 = arith.andi %bitcast_convert_type3A, %and3A_22 : vector<4096x64xi32>
    %shift_left3A = arith.constant 16 : i32
    %shift_left3A_24 = vector.broadcast %shift_left3A : i32 to vector<4096x64xi32>
    %shift_left3A_25 = arith.shli %bitcast_convert_type3A, %shift_left3A_24 : vector<4096x64xi32>
    %broadcast_in_dim3A_26 = vector.shape_cast %gt3A_20 : vector<4096x1xi1> to vector<4096x1xi1>
    %broadcast_in_dim3A_27 = vector.broadcast %broadcast_in_dim3A_26 : vector<4096x1xi1> to vector<4096x64xi1>
    %select_n3A_28 = arith.select %broadcast_in_dim3A_27, %and3A_23, %shift_left3A_25 : vector<4096x64xi1>, vector<4096x64xi32>
    %bitcast_convert_type3A_29 = tpu.bitcast %select_n3A_28 : vector<4096x64xi32> -> vector<4096x64xf32>
    %convert_element_type3A = arith.truncf %bitcast_convert_type3A_29 : vector<4096x64xf32> to vector<4096x64xbf16>
    %get3A_30 = arith.constant 0 : index
    %get3A_31 = arith.constant 0 : index
    %get3A_32 = vector.load %arg3[%get3A_30, %get3A_31] : memref<64x128xf32, #tpu.memory_space<vmem>>, vector<64x128xf32>
    %convert_element_type3A_33 = arith.truncf %get3A_32 : vector<64x128xf32> to vector<64x128xbf16>
    %dot_general3A = arith.constant dense<0.000000e+00> : vector<4096x128xf32>
    %dot_general3A_34 = tpu.matmul %convert_element_type3A, %convert_element_type3A_33, %dot_general3A {dimension_numbers = #tpu.dot_dimension_numbers<[1], [0], [0], [1], [0, 0, 1, 1], [], []>, transpose_lhs_hint = false} : vector<4096x64xbf16>, vector<64x128xbf16>, vector<4096x128xf32> -> vector<4096x128xf32>
    %get3A_35 = arith.constant 0 : index
    %get3A_36 = arith.constant 0 : index
    %get3A_37 = vector.load %arg4[%get3A_35, %get3A_36] : memref<1x128xf32, #tpu.memory_space<vmem>>, vector<1x128xf32>
    %add3A = vector.broadcast %get3A_37 : vector<1x128xf32> to vector<4096x128xf32>
    %add3A_38 = arith.addf %dot_general3A_34, %add3A : vector<4096x128xf32>
    %reduce_sum3A = arith.constant dense<0.000000e+00> : vector<4096xf32>
    %reduce_sum3A_39 = vector.multi_reduction <add>, %add3A_38, %reduce_sum3A [1] : vector<4096x128xf32> to vector<4096xf32>
    %broadcast_in_dim3A_40 = vector.shape_cast %reduce_sum3A_39 : vector<4096xf32> to vector<4096x1xf32>
    %div3A = arith.constant 1.280000e+02 : f32
    %div3A_41 = vector.broadcast %div3A : f32 to vector<4096x1xf32>
    %div3A_42 = arith.divf %broadcast_in_dim3A_40, %div3A_41 : vector<4096x1xf32>
    %sub3A = vector.broadcast %div3A_42 : vector<4096x1xf32> to vector<4096x128xf32>
    %sub3A_43 = arith.subf %add3A_38, %sub3A : vector<4096x128xf32>
    %integer_pow3A = arith.mulf %sub3A_43, %sub3A_43 : vector<4096x128xf32>
    %reduce_sum3A_44 = arith.constant dense<0.000000e+00> : vector<4096xf32>
    %reduce_sum3A_45 = vector.multi_reduction <add>, %integer_pow3A, %reduce_sum3A_44 [1] : vector<4096x128xf32> to vector<4096xf32>
    %broadcast_in_dim3A_46 = vector.shape_cast %reduce_sum3A_45 : vector<4096xf32> to vector<4096x1xf32>
    %div3A_47 = arith.constant 1.280000e+02 : f32
    %div3A_48 = vector.broadcast %div3A_47 : f32 to vector<4096x1xf32>
    %div3A_49 = arith.divf %broadcast_in_dim3A_46, %div3A_48 : vector<4096x1xf32>
    %sub3A_50 = vector.broadcast %div3A_42 : vector<4096x1xf32> to vector<4096x128xf32>
    %sub3A_51 = arith.subf %add3A_38, %sub3A_50 : vector<4096x128xf32>
    %add3A_52 = arith.constant 9.99999974E-6 : f32
    %add3A_53 = vector.broadcast %add3A_52 : f32 to vector<4096x1xf32>
    %add3A_54 = arith.addf %div3A_49, %add3A_53 : vector<4096x1xf32>
    %rsqrt3A = math.rsqrt %add3A_54 : vector<4096x1xf32>
    %mul3A = vector.broadcast %rsqrt3A : vector<4096x1xf32> to vector<4096x128xf32>
    %mul3A_55 = arith.mulf %sub3A_51, %mul3A : vector<4096x128xf32>
    %get3A_56 = arith.constant 0 : index
    %get3A_57 = arith.constant 0 : index
    %get3A_58 = vector.load %arg5[%get3A_56, %get3A_57] : memref<1x128xf32, #tpu.memory_space<vmem>>, vector<1x128xf32>
    %mul3A_59 = vector.broadcast %get3A_58 : vector<1x128xf32> to vector<4096x128xf32>
    %mul3A_60 = arith.mulf %mul3A_55, %mul3A_59 : vector<4096x128xf32>
    %get3A_61 = arith.constant 0 : index
    %get3A_62 = arith.constant 0 : index
    %get3A_63 = vector.load %arg6[%get3A_61, %get3A_62] : memref<1x128xf32, #tpu.memory_space<vmem>>, vector<1x128xf32>
    %add3A_64 = vector.broadcast %get3A_63 : vector<1x128xf32> to vector<4096x128xf32>
    %add3A_65 = arith.addf %mul3A_60, %add3A_64 : vector<4096x128xf32>
    %mul3A_66 = arith.constant 5.000000e-01 : f32
    %mul3A_67 = vector.broadcast %mul3A_66 : f32 to vector<4096x128xf32>
    %mul3A_68 = arith.mulf %mul3A_67, %add3A_65 : vector<4096x128xf32>
    %mul3A_69 = arith.constant 0.707106769 : f32
    %mul3A_70 = vector.broadcast %mul3A_69 : f32 to vector<4096x128xf32>
    %mul3A_71 = arith.mulf %add3A_65, %mul3A_70 : vector<4096x128xf32>
    %erf3A = math.erf %mul3A_71 : vector<4096x128xf32>
    %add3A_72 = arith.constant 1.000000e+00 : f32
    %add3A_73 = vector.broadcast %add3A_72 : f32 to vector<4096x128xf32>
    %add3A_74 = arith.addf %add3A_73, %erf3A : vector<4096x128xf32>
    %mul3A_75 = arith.mulf %mul3A_68, %add3A_74 : vector<4096x128xf32>
    %convert_element_type3A_76 = arith.truncf %mul3A_75 : vector<4096x128xf32> to vector<4096x128xbf16>
    %get3A_77 = arith.constant 0 : index
    %get3A_78 = arith.constant 0 : index
    %get3A_79 = vector.load %arg7[%get3A_77, %get3A_78] : memref<128x128xf32, #tpu.memory_space<vmem>>, vector<128x128xf32>
    %convert_element_type3A_80 = arith.truncf %get3A_79 : vector<128x128xf32> to vector<128x128xbf16>
    %dot_general3A_81 = arith.constant dense<0.000000e+00> : vector<4096x128xf32>
    %dot_general3A_82 = tpu.matmul %convert_element_type3A_76, %convert_element_type3A_80, %dot_general3A_81 {dimension_numbers = #tpu.dot_dimension_numbers<[1], [0], [0], [1], [0, 0, 1, 1], [], []>, transpose_lhs_hint = false} : vector<4096x128xbf16>, vector<128x128xbf16>, vector<4096x128xf32> -> vector<4096x128xf32>
    %get3A_83 = arith.constant 0 : index
    %get3A_84 = arith.constant 0 : index
    %get3A_85 = vector.load %arg8[%get3A_83, %get3A_84] : memref<1x128xf32, #tpu.memory_space<vmem>>, vector<1x128xf32>
    %add3A_86 = vector.broadcast %get3A_85 : vector<1x128xf32> to vector<4096x128xf32>
    %add3A_87 = arith.addf %dot_general3A_82, %add3A_86 : vector<4096x128xf32>
    %swap3A = arith.constant 0 : index
    %swap3A_88 = arith.constant 0 : index
    %swap3A_89 = vector.load %arg9[%swap3A, %swap3A_88] : memref<4096x128xf32, #tpu.memory_space<vmem>>, vector<4096x128xf32>
    tpu.vector_store %arg9[%swap3A, %swap3A_88], %add3A_87 {strides = array<i32>} : memref<4096x128xf32, #tpu.memory_space<vmem>>, vector<4096x128xf32>,
    return
  }
  func.func @transform_0(%arg0: i32) -> (i32, i32) {
    %c0_i32 = arith.constant 0 : i32
    %c0_i32_0 = arith.constant 0 : i32
    return %arg0, %c0_i32 : i32, i32
  }
  func.func @transform_1(%arg0: i32) -> (i32, i32) {
    %c0_i32 = arith.constant 0 : i32
    %c0_i32_0 = arith.constant 0 : i32
    return %arg0, %c0_i32 : i32, i32
  }
  func.func @transform_2(%arg0: i32) -> (i32, i32) {
    %c0_i32 = arith.constant 0 : i32
    %c0_i32_0 = arith.constant 0 : i32
    %c0_i32_1 = arith.constant 0 : i32
    return %c0_i32, %c0_i32_0 : i32, i32
  }
  func.func @transform_3(%arg0: i32) -> (i32, i32) {
    %c0_i32 = arith.constant 0 : i32
    %c0_i32_0 = arith.constant 0 : i32
    %c0_i32_1 = arith.constant 0 : i32
    return %c0_i32, %c0_i32_0 : i32, i32
  }
  func.func @transform_4(%arg0: i32) -> (i32, i32) {
    %c0_i32 = arith.constant 0 : i32
    %c0_i32_0 = arith.constant 0 : i32
    %c0_i32_1 = arith.constant 0 : i32
    return %c0_i32, %c0_i32_0 : i32, i32
  }
  func.func @transform_5(%arg0: i32) -> (i32, i32) {
    %c0_i32 = arith.constant 0 : i32
    %c0_i32_0 = arith.constant 0 : i32
    %c0_i32_1 = arith.constant 0 : i32
    return %c0_i32, %c0_i32_0 : i32, i32
  }
  func.func @transform_6(%arg0: i32) -> (i32, i32) {
    %c0_i32 = arith.constant 0 : i32
    %c0_i32_0 = arith.constant 0 : i32
    %c0_i32_1 = arith.constant 0 : i32
    return %c0_i32, %c0_i32_0 : i32, i32
  }
  func.func @transform_7(%arg0: i32) -> (i32, i32) {
    %c0_i32 = arith.constant 0 : i32
    %c0_i32_0 = arith.constant 0 : i32
    %c0_i32_1 = arith.constant 0 : i32
    return %c0_i32, %c0_i32_0 : i32, i32
  }
  func.func @transform_8(%arg0: i32) -> (i32, i32) {
    %c0_i32 = arith.constant 0 : i32
    %c0_i32_0 = arith.constant 0 : i32
    return %arg0, %c0_i32 : i32, i32
  }
}

</mosaic_0001>

<sc_bundles>
// kernel: kernel.5.cloned.1.call-start
scs
__scs_entry_jumppad:
0x0: {  	(pc) =	sbr.rel $0x88, $3  }
0x1: {  	(tag) =	ssettag $0x0;
	lr =	simm.s32 $0x1  }
0x2: {  	[smem:$0x3F99] =	sst lr;
	_ =	strace $0xD0000000  }
0x3: {  	_ = 	snop  }
0x4: {  	_ = 	snop  }
0x5: {  	_ = 	snop  }
0x6: {  	_ = 	snop  }
0x7: {  	_ = 	snop  }
__scs_overlays_trampoline_lowered:
0x8: {  	[smem:$0x3FA8] =	sst s0  }
0x9: {  	[smem:$0x3FA9] =	sst s1  }
0xa: {  	[smem:$0x3FAA] =	sst s2  }
0xb: {  	[smem:$0x3FAB] =	sst s3  }
0xc: {  	[smem:$0x3FAC] =	sst s4  }
0xd: {  	[smem:$0x3FAD] =	sst s5  }
0xe: {  	[smem:$0x3FAE] =	sst s6  }
0xf: {  	[smem:$0x3FAF] =	sst s7  }
0x10: {  	[smem:$0x3FB0] =	sst s8  }
0x11: {  	[smem:$0x3FB1] =	sst s9;
	s0 =	simm.s32 @!p0 $0x0  }
0x12: {  	s1 =	sld [smem:$0x3F97];
	s0 =	simm.s32 @p0 $0x1  }
0x13: {  	[smem:$0x3FB2] =	sst s0;
	s0 =	simm.s32 @!p1 $0x0  }
0x14: {  	s2 =	sld [smem:$0x3F96];
	s0 =	simm.s32 @p1 $0x1  }
0x15: {  	[smem:$0x3FB3] =	sst s0;
	s0 =	simm.s32 @!p2 $0x0  }
0x16: {  	s3 =	sld [smem:$0x3FDB];
	s0 =	simm.s32 @p2 $0x1  }
0x17: {  	s4 =	simm.s32 $0x1BF5;
	[smem:$0x3FB5] =	sst s0  }
0x18: {  	s0 =	sld [smem:$0x3F98];
	_ =	swait.ge [sflag:s4], $0x0  }
0x19: {  	s7 =	sld [smem:$0x3F99]  }
0x1a: {  	s8 =	sadd.s32 $0xFFFFE003, lr  }
0x1b: {  	s9 =	sadd.s32 $0xFFFFFEF7, lr;
	s5 =	simm.s32 $0xFFFFFFFF;
	p2 =	slt.u32 s8, $0xFFFFF086  }
0x1c: {  	p1 =	slt.u32 s9, $0xF7A;
	s5 =	simm.s32 @!p2 $0x0  }
0x1d: {  	s5 =	simm.s32 @p1 $0x1;
	p0 =	seq.s32 s7, s2  }
0x1e: {  	s7 =	smul.u32 @!p0 $0xF7A, s2;
	p2 =	seq.s32 @!p0 s5, $0x0  }
0x1f: {  	s9 =	smul.u32 $0xF7A, s1;
	s8 =	simm.s32 @!p0 $0x1BF5;
	p2 =	por !p2, p0  }
0x20: {  	[sflag:s8] =	ssyncset.s32 @!p0 $0xFFFFF086;
	s6 =	sadd.s32 @!p0 s3, s7;
	s7 =	simm.s32 @!p0 $0x108  }
0x21: {  	s3 =	sadd.s32 s3, s9;
	s6 =	sadd.s32 @!p0 $0x88, s6;
	s7 =	simm.s32 @p2 $0x1082  }
0x22: {  	[simem:s7], [sflag:s8] =	dma.local @!p0 [hbm:s6], $0xF7A  }
0x23: {  	s9 =	sor.u32 $0xD0000000, s2;
	s6 =	simm.s32 $0x108;
	_ =	swait.ge @!p0 [sflag:s8], $0x0  }
0x24: {  	s3 =	sadd.s32 $0x88, s3;
	s6 =	simm.s32 @!p1 $0x1082;
	[sflag:s4] =	ssyncset.s32 $0xFFFFF086  }
0x25: {  	[simem:s6], [sflag:s4] =	dma.local [hbm:s3], $0xF7A  }
0x26: {  	[smem:$0x3F99] =	sst s1;
	(tag) =	ssettag s2;
	_ =	strace s9  }
0x27: {  	s1 =	sld [smem:$0x3FA9]  }
0x28: {  	s2 =	sld [smem:$0x3FAA]  }
0x29: {  	s4 =	sld [smem:$0x3FAC]  }
0x2a: {  	p0 =	seq.s32 s5, $0x0;
	s5 =	sld [smem:$0x3FAD]  }
0x2b: {  	s6 =	sld [smem:$0x3FAE]  }
0x2c: {  	s7 =	sld [smem:$0x3FAF]  }
0x2d: {  	s3 =	simm.s32 $0x108;
	s8 =	sld [smem:$0x3FB0]  }
0x2e: {  	s3 =	simm.s32 @!p0 $0x1082;
	s9 =	sld [smem:$0x3FB1]  }
0x2f: {  	lr =	sadd.s32 s0, s3;
	s0 =	sld [smem:$0x3FA8]  }
0x30: {  	s3 =	sld [smem:$0x3FAB]  }
0x31: {  	[smem:$0x3FB4] =	sst s10  }
0x32: {  	s10 =	sld [smem:$0x3FB2];
	_ =	sdelay $0x3  }
0x33: {  	p0 =	seq.s32 s10, $0x1;
	s10 =	sld [smem:$0x3FB4];
	_ =	sdelay $0x3  }
0x34: {  	[smem:$0x3FB4] =	sst s10  }
0x35: {  	s10 =	sld [smem:$0x3FB3];
	_ =	sdelay $0x3  }
0x36: {  	p1 =	seq.s32 s10, $0x1;
	s10 =	sld [smem:$0x3FB4];
	_ =	sdelay $0x3  }
0x37: {  	[smem:$0x3FB4] =	sst s10  }
0x38: {  	s10 =	sld [smem:$0x3FB5]  }
0x39: {  	_ = 	snop;
	(pc) =	sbr.ind lr, $3  }
0x3a: {  	_ = 	snop  }
0x3b: {  	_ = 	snop  }
0x3c: {  	p2 =	seq.s32 s10, $0x1;
	s10 =	sld [smem:$0x3FB4]  }
0x3d: {  	_ =	shalt  }
0x3e: {  	_ =	shalt  }
0x3f: {  	_ =	shalt  }
0x40: {  	_ =	shalt  }
0x41: {  	_ =	shalt  }
0x42: {  	_ =	shalt  }
0x43: {  	_ =	shalt  }
0x44: {  	_ =	shalt  }
0x45: {  	_ =	shalt  }
0x46: {  	_ =	shalt  }
0x47: {  	_ =	shalt  }
0x48: {  	_ =	shalt  }
0x49: {  	_ =	shalt  }
0x4a: {  	_ =	shalt  }
0x4b: {  	_ =	shalt  }
0x4c: {  	_ =	shalt  }
0x4d: {  	_ =	shalt  }
0x4e: {  	_ =	shalt  }
0x4f: {  	_ =	shalt  }
0x50: {  	_ =	shalt  }
0x51: {  	_ =	shalt  }
0x52: {  	_ =	shalt  }
0x53: {  	_ =	shalt  }
0x54: {  	_ =	shalt  }
0x55: {  	_ =	shalt  }
0x56: {  	_ =	shalt  }
0x57: {  	_ =	shalt  }
0x58: {  	_ =	shalt  }
0x59: {  	_ =	shalt  }
0x5a: {  	_ =	shalt  }
0x5b: {  	_ =	shalt  }
0x5c: {  	_ =	shalt  }
0x5d: {  	_ =	shalt  }
0x5e: {  	_ =	shalt  }
0x5f: {  	_ =	shalt  }
0x60: {  	_ =	shalt  }
0x61: {  	_ =	shalt  }
0x62: {  	_ =	shalt  }
0x63: {  	_ =	shalt  }
0x64: {  	_ =	shalt  }
0x65: {  	_ =	shalt  }
0x66: {  	_ =	shalt  }
0x67: {  	_ =	shalt  }
0x68: {  	_ =	shalt  }
0x69: {  	_ =	shalt  }
0x6a: {  	_ =	shalt  }
0x6b: {  	_ =	shalt  }
0x6c: {  	_ =	shalt  }
0x6d: {  	_ =	shalt  }
0x6e: {  	_ =	shalt  }
0x6f: {  	_ =	shalt  }
0x70: {  	_ =	shalt  }
0x71: {  	_ =	shalt  }
0x72: {  	_ =	shalt  }
0x73: {  	_ =	shalt  }
0x74: {  	_ =	shalt  }
0x75: {  	_ =	shalt  }
0x76: {  	_ =	shalt  }
0x77: {  	_ =	shalt  }
0x78: {  	_ =	shalt  }
0x79: {  	_ =	shalt  }
0x7a: {  	_ =	shalt  }
0x7b: {  	_ =	shalt  }
0x7c: {  	_ =	shalt  }
0x7d: {  	_ =	shalt  }
0x7e: {  	_ =	shalt  }
0x7f: {  	_ =	shalt  }
0x80: {  	_ =	shalt  }
0x81: {  	_ =	shalt  }
0x82: {  	_ =	shalt  }
0x83: {  	_ =	shalt  }
0x84: {  	_ =	shalt  }
0x85: {  	_ =	shalt  }
0x86: {  	_ =	shalt  }
0x87: {  	_ =	shalt  }
.Lfunc_end0:
.L_simem_size_0:
called_computation_lowered:
.L_overlay_start_0:
0x88: {  	s2 =	sld [smem:$0x3FD9]  }
0x89: {  	s3 =	sld [smem:$0x3FFE];
	_ =	sdelay $0x1  }
0x8a: {  	s1 =	srdreg.scid  }
0x8b: {  	s0 =	sand.u32 $0x1, s1  }
0x8c: {  	s17 =	sshll.u32 s0, $0xA;
	s2 =	sadd.s32 s3, s2  }
0x8d: {  	s2 =	sadd.s32 s2, s17  }
0x8e: {  	[smem:$0x3FC0] =	sst s2  }
0x8f: {  	_ = 	snop  }
0x90: {  	s2 =	sld [smem:$0x3FC9]  }
0x91: {  	s18 =	sld [smem:$0x3FD0];
	(tm) =	ssettm $0x1  }
0x92: {  	s4 =	sld [smem:$0x3FFB];
	_ =	sdelay $0x3  }
0x93: {  	_ =	strace s4  }
0x94: {  	s4 =	sld [smem:$0x3FFC];
	_ =	sdelay $0x3  }
0x95: {  	_ =	strace s4  }
0x96: {  	s4 =	sld [smem:$0x3FFD];
	_ =	sdelay $0x3  }
0x97: {  	_ =	strace s4  }
0x98: {  	_ =	strace $0x8FFFFFFF  }
0x99: {  	s19 =	sld [smem:$0x3FDB];
	_ =	sdelay $0x1  }
0x9a: {  	s5 =	simm.s32 $_scs_section_size  }
0x9b: {  	s6 =	simm.s32 $_size__tile_overlayer_lowered;
	s7 =	simm.s32 $_tile_overlayer_lowered  }
0x9c: {  	s22 =	simm.s32 $0x1BFF;
	s21 =	sshll.u32 s7, $0x1;
	s4 =	sadd.s32 s5, s19  }
0x9d: {  	s8 =	simm.s32 $0x0;
	s20 =	sshll.u32 s6, $0x1;
	s6 =	sadd.s32 s21, s4  }
0x9e: {  	[timem:s8], [sflag:s22] =	dma.local [hbm:s6], s20  }
0x9f: {  	_ =	swait.ge [sflag:s22], s20  }
0xa0: {  	s5 =	ssub.s32 $0x0, s20;
	[sflag:s22] =	ssyncset.done $0x0  }
0xa1: {  	[sflag:s22] =	ssyncadd.s32 s5;
	_ =	sdelay $0x1  }
0xa2: {  	s23 =	simm.s32 $0x1B8B  }
0xa3: {  	_ =	swait.ge [sflag:s23], $0x1  }
0xa4: {  	[sflag:s23] =	ssyncset.done $0x0  }
0xa5: {  	s25 =	simm.s32 $0x1B8E;
	s24 =	sld [smem:$0x3FFE];
	[sflag:s23] =	ssyncadd.s32 $0xFFFFFFFF  }
0xa6: {  	s26 =	simm.s32 $execute0_lowered;
	[smem:$0x3FD2] =	sst s25  }
0xa7: {  	s6 =	sshll.u32 s26, $0x1;
	_ =	strace $0x80000046;
	[dreg:$0x1] =	wrdreg $0xFFFFFFFF  }
0xa8: {  	s28 =	simm.s32 $_size_execute0_lowered;
	s4 =	sadd.s32 s4, s6;
	[dreg:$0x0] =	wrdreg $0x0  }
0xa9: {  	s6 =	sshll.u32 s28, $0x1;
	[dreg:$0x2] =	wrdreg s4  }
0xaa: {  	[dreg:$0x3] =	wrdreg s6  }
0xab: {  	[dreg:$0x4] =	wrdreg $0xC0  }
0xac: {  	_ =	task [dreg:s8], $0x5FFFF  }
0xad: {  	[dreg:$0x1] =	wrdreg $0xFFFFFFFF  }
0xae: {  	[dreg:$0x0] =	wrdreg $0x60  }
0xaf: {  	[dreg:$0x2] =	wrdreg s24  }
0xb0: {  	[dreg:$0x3] =	wrdreg s2  }
0xb1: {  	[dreg:$0x4] =	wrdreg s18  }
0xb2: {  	[dreg:$0x5] =	wrdreg $0x9  }
0xb3: {  	_ =	task.clear_ibuf [dreg:s8], $0x6FFFF;
	_ =	strace $0x90000046  }
0xb4: {  	s29 =	simm.s32 $0x9;
	_ =	strace $0x80000048  }
0xb5: {  	_ =	swait.ge [sflag:s29], $0x1  }
0xb6: {  	[sflag:s29] =	ssyncadd.s32 $0xFFFFFFFF  }
0xb7: {  	_ =	strace $0x90000048  }
0xb8: {  	_ =	sfence  }
0xb9: {  	s30 =	sld [smem:$0x0];
	_ =	sdelay $0x2  }
0xba: {  	s31 =	sshll.u32 s1, $0xD;
	s1 =	sshrl.u32 s1, $0x2  }
0xbb: {  	s3 =	sand.u32 $0x4000, s31;
	s1 =	sadd.s32 s1, s30  }
0xbc: {  	s0 =	sor.u32 s3, s0;
	s1 =	sshll.u32 s1, $0x11  }
0xbd: {  	s0 =	sor.u32 s1, s0  }
0xbe: {  	s0 =	sadd.s32 $0x8F2B, s0  }
0xbf: {  	[sflag:s0] =	ssyncadd.remote.s32 $0x1  }
0xc0: {  	_ =	sfence.sel $0xFFFF  }
0xc1: {  	[dreg:$0x0] =	wrdreg $0xFFFFFFFF;
	(pc) =	sbr.abs _section_cstart, $3  }
0xc2: {  	[dreg:$0x1] =	wrdreg $0xFFFFFFFF  }
0xc3: {  	_ =	task.clear_ibuf [dreg:s8], $0x2FFFF;
	_ =	strace $0x9FFFFFFF  }
0xc4: {  	(tm) =	ssettm $0x7FFFFFFF  }
0xc5: {  	_ =	shalt  }
tec
execute0_lowered:
.L_overlay_start_1:
0x0: {  	(tag) =	ssettag $0x1  }
0x1: {  	s4 =	rddreg [dreg:$0x0];
	s1 =	srdreg.scid  }
0x2: {  	s3 =	rddreg [dreg:$0x1];
	s0 =	stileid.u32;
	s7 =	sand.u32 $0x1, s1  }
0x3: {  	s5 =	rddreg [dreg:$0x2];
	s6 =	sshll.u32 s0, $0xA;
	s8 =	sshll.u32 s7, $0x9  }
0x4: {  	s2 =	simm.s32 $0x0;
	s1 =	rddreg [dreg:$0x3];
	s6 =	sor.u32 s8, s6  }
0x5: {  	[smem:$0x7FF] =	sst s2;
	s8 =	sshrl.u32 s6, $0x3  }
0x6: {  	_ =	strace $0x80000047;
	s15 =	sadd.s32 s3, s8;
	s3 =	simm.s32 $0x2  }
0x7: {  	[tilespmem:s2], [sflag:$0x2] =	stream.linear.gather [hbm4b:s15+s2], $0x200, $0x38;
	[tilespmem:$0x10400] =	vst v63  }
0x8: {  	_ =	swait.ge [sflag:s3], $0x200  }
0x9: {  	[sflag:s3] =	ssyncset.done $0x0  }
0xa: {  	[sflag:s3] =	ssyncadd.s32 $0xFFFFFE00  }
0xb: {  	v0 =	vld [tilespmem:$0x1F0]  }
0xc: {  	v1 =	vld [tilespmem:$0x1E0]  }
0xd: {  	v2 =	vld [tilespmem:$0x30]  }
0xe: {  	v3 =	vld [tilespmem:$0x40]  }
0xf: {  	v5 =	vld [tilespmem:$0x0]  }
0x10: {  	v7 =	vld [tilespmem:$0x10]  }
0x11: {  	v12 =	vld [tilespmem:$0x70]  }
0x12: {  	v15 =	vld [tilespmem:$0x50]  }
0x13: {  	v6 =	vshra.s32 v0, $0x2;
	v8 =	vshra.s32 v1, $0x2;
	v1 =	vshrl.u32 v1, $0x1  }
0x14: {  	v0 =	vshrl.u32 v0, $0x1;
	v9 =	vshra.s32 v5, $0x2;
	v10 =	vshra.s32 v3, $0x2  }
0x15: {  	v13 =	vshra.s32 v7, $0x2;
	v14 =	vshrl.u32 v2, $0x1;
	v16 =	vshrl.u32 v5, $0x1  }
0x16: {  	v2 =	vshra.s32 v2, $0x2;
	v3 =	vshrl.u32 v3, $0x1;
	v7 =	vshrl.u32 v7, $0x1  }
0x17: {  	v4 =	vld [tilespmem:$0x20];
	v18 =	vshra.s32 v12, $0x2;
	v19 =	vshra.s32 v15, $0x2;
	v15 =	vshrl.u32 v15, $0x1  }
0x18: {  	v8 =	vand.u32 $0xFFFFE000, v8;
	v1 =	vand.u32 $0x1FFF, v1;
	v6 =	vand.u32 $0xFFFFE000, v6  }
0x19: {  	v20 =	vld [tilespmem:$0xD0];
	v0 =	vand.u32 $0x1FFF, v0;
	v10 =	vand.u32 $0xFFFFE000, v10;
	v2 =	vand.u32 $0xFFFFE000, v2  }
0x1a: {  	v11 =	vld [tilespmem:$0x60];
	v13 =	vand.u32 $0xFFFFE000, v13;
	v21 =	vand.u32 $0x1FFF, v7;
	v7 =	vand.u32 $0xFFFFE000, v19  }
0x1b: {  	v15 =	vand.u32 $0x1FFF, v15;
	v18 =	vand.u32 $0xFFFFE000, v18;
	v9 =	vand.u32 $0xFFFFE000, v9  }
0x1c: {  	v8 =	vor.u32 v1, v8;
	v0 =	vor.u32 v0, v6;
	v6 =	vshra.s32 v4, $0x2  }
0x1d: {  	v19 =	vld [tilespmem:$0xA0];
	v4 =	vshrl.u32 v4, $0x1;
	v15 =	vor.u32 v15, v7;
	v13 =	vor.u32 v21, v13  }
0x1e: {  	v1 =	vld [tilespmem:$0x90];
	v21 =	vshra.s32 v20, $0x2;
	v6 =	vand.u32 $0xFFFFE000, v6;
	v17 =	vand.u32 $0x1FFF, v4  }
0x1f: {  	v4 =	vand.u32 $0x1FFF, v14;
	[tilespmem:$0x3E0] =	vst v8;
	v8 =	vshra.s32 v11, $0x2;
	v21 =	vand.u32 $0xFFFFE000, v21  }
0x20: {  	[tilespmem:$0x250] =	vst v15;
	v14 =	vor.u32 v4, v2;
	v2 =	vand.u32 $0x1FFF, v3;
	v3 =	vld [tilespmem:$0x80];
	v15 =	vor.u32 v17, v6  }
0x21: {  	v10 =	vor.u32 v2, v10;
	v2 =	vshrl.u32 v11, $0x1;
	[tilespmem:$0x230] =	vst v14;
	v14 =	vshrl.u32 v20, $0x1  }
0x22: {  	s7 =	ssub.s32 $0x2, s7;
	v24 =	vld [tilespmem:$0x130];
	v5 =	vand.u32 $0x1FFF, v2;
	[tilespmem:$0x240] =	vst v10;
	v10 =	vand.u32 $0x1FFF, v16;
	v16 =	vand.u32 $0x1FFF, v14  }
0x23: {  	s30 =	sshrl.u32 s7, $0x1;
	v22 =	vld [tilespmem:$0xB0];
	v6 =	vshra.s32 v19, $0x2;
	v14 =	vshrl.u32 v19, $0x1;
	v4 =	vshrl.u32 v1, $0x1  }
0x24: {  	s7 =	ssub.s32 s7, s30;
	[tilespmem:$0x210] =	vst v13;
	v11 =	vld [tilespmem:$0x120];
	v7 =	vshra.s32 v1, $0x2;
	v1 =	vshrl.u32 v12, $0x1;
	v13 =	vand.u32 $0xFFFFE000, v6  }
0x25: {  	s17 =	smax.u32 s7, $0x1;
	v2 =	vld [tilespmem:$0x140];
	v17 =	vand.u32 $0x1FFF, v14;
	v12 =	vshra.s32 v3, $0x2;
	v3 =	vshrl.u32 v3, $0x1  }
0x26: {  	p0 =	sne.s32 s17, $0x1;
	v23 =	vand.u32 $0x1FFF, v1;
	v1 =	vand.u32 $0x1FFF, v3;
	v3 =	vand.u32 $0xFFFFE000, v7;
	v7 =	vld [tilespmem:$0xC0]  }
.Ltmp0:
0x27: {  	s9 =	simm.s32 $0x280;
	s10 =	simm.s32 $0x4400;
	v6 =	vshrl.u32 v24, $0x1;
	v4 =	vand.u32 $0x1FFF, v4;
	v19 =	vor.u32 v17, v13;
	(pc) =	sbr.rel @!p0 .LBB2_2-.Ltmp0, $4  }
0x28: {  	s11 =	simm.s32 $0x300;
	s13 =	simm.s32 $0x8400;
	s14 =	simm.s32 $0x380;
	[tilespmem:$0x220] =	vst v15;
	v17 =	vld [tilespmem:$0xE0];
	v20 =	vor.u32 v23, v18;
	v18 =	vshrl.u32 v22, $0x1;
	v23 =	vshra.s32 v24, $0x2  }
0x29: {  	s16 =	simm.s32 $0xC400;
	s12 =	simm.s32 $0x1;
	s31 =	sshll.u32 s6, $0x4;
	v15 =	vld [tilespmem:$0xF0];
	[tilespmem:$0x270] =	vst v20;
	v25 =	vor.u32 v4, v3;
	v3 =	vand.u32 $0xFFFFE000, v12;
	v12 =	vor.u32 v10, v9  }
0x2a: {  	s6 =	sadd.s32 $0x1400, s4;
	s4 =	sadd.s32 s5, s31;
	s7 =	simm.s32 $0x80;
	v13 =	vshra.s32 v11, $0x2;
	v4 =	vshrl.u32 v2, $0x1;
	v10 =	vld [tilespmem:$0x110];
	[tilespmem:$0x200] =	vst v12;
	v12 =	vshra.s32 v22, $0x2  }
0x2b: {  	s8 =	simm.s32 $0x200;
	s5 =	simm.s32 $0x400;
	s17 =	sadd.s32 $0xFFFFFFFF, s17;
	v9 =	vld [tilespmem:$0x100];
	[tilespmem:$0x290] =	vst v25;
	v20 =	vand.u32 $0xFFFFE000, v12;
	v12 =	vand.u32 $0xFFFFE000, v23;
	v14 =	vshra.s32 v7, $0x2  }
.LBB2_1:
0x2c: {  	p0 =	sne.s32 s17, $0x1;
	s17 =	sadd.s32 $0xFFFFFFFF, s17;
	[tilespmem:$0x2A0] =	vst v19;
	v18 =	vand.u32 $0x1FFF, v18;
	v7 =	vshrl.u32 v7, $0x1;
	v16 =	vor.u32 v16, v21  }
0x2d: {  	v8 =	vand.u32 $0xFFFFE000, v8;
	v19 =	vshra.s32 v17, $0x2;
	v11 =	vshrl.u32 v11, $0x1  }
0x2e: {  	v5 =	vor.u32 v5, v8;
	v7 =	vand.u32 $0x1FFF, v7;
	v8 =	vshrl.u32 v17, $0x1;
	[tilespmem:$0x2D0] =	vst v16  }
0x2f: {  	v8 =	vand.u32 $0x1FFF, v8;
	v16 =	vshra.s32 v15, $0x2;
	[tilespmem:$0x260] =	vst v5;
	v5 =	vor.u32 v18, v20  }
0x30: {  	v17 =	vand.u32 $0xFFFFE000, v19;
	v19 =	vshrl.u32 v10, $0x1;
	v18 =	vshra.s32 v9, $0x2;
	v20 =	vld [tilespmem:$0x180]  }
0x31: {  	v10 =	vshra.s32 v10, $0x2;
	v15 =	vshrl.u32 v15, $0x1;
	v8 =	vor.u32 v8, v17;
	v17 =	vld [tilespmem:$0x170]  }
0x32: {  	[tilespmem:$0x2E0] =	vst v8;
	v8 =	vshrl.u32 v9, $0x1;
	v9 =	vand.u32 $0xFFFFE000, v10;
	v10 =	vand.u32 $0x1FFF, v19;
	v19 =	vld [tilespmem:$0x160]  }
0x33: {  	v14 =	vand.u32 $0xFFFFE000, v14;
	v18 =	vand.u32 $0xFFFFE000, v18;
	v9 =	vor.u32 v10, v9;
	v10 =	vld [tilespmem:$0x150]  }
0x34: {  	v7 =	vor.u32 v7, v14;
	v14 =	vand.u32 $0xFFFFE000, v16;
	v15 =	vand.u32 $0x1FFF, v15;
	[tilespmem:$0x310] =	vst v9  }
0x35: {  	v9 =	vand.u32 $0x1FFF, v11;
	[tilespmem:$0x2B0] =	vst v5;
	v5 =	vand.u32 $0x1FFF, v8;
	v8 =	vand.u32 $0xFFFFE000, v13  }
0x36: {  	v6 =	vand.u32 $0x1FFF, v6;
	[tilespmem:$0x2C0] =	vst v7;
	v7 =	vor.u32 v9, v8;
	v8 =	vshrl.u32 v20, $0x1  }
0x37: {  	v2 =	vshra.s32 v2, $0x2;
	v6 =	vor.u32 v6, v12;
	v8 =	vand.u32 $0x1FFF, v8  }
0x38: {  	v4 =	vand.u32 $0x1FFF, v4;
	v2 =	vand.u32 $0xFFFFE000, v2;
	[tilespmem:$0x330] =	vst v6;
	v6 =	vshra.s32 v20, $0x2  }
0x39: {  	v2 =	vor.u32 v4, v2;
	v9 =	vshrl.u32 v17, $0x1;
	v4 =	vshra.s32 v10, $0x2  }
0x3a: {  	v9 =	vand.u32 $0x1FFF, v9;
	v4 =	vand.u32 $0xFFFFE000, v4;
	[tilespmem:$0x320] =	vst v7;
	v7 =	vshrl.u32 v10, $0x1;
	v10 =	vld [tilespmem:$0x1A0]  }
0x3b: {  	v11 =	vshra.s32 v17, $0x2;
	[tilespmem:$0x340] =	vst v2;
	v2 =	vand.u32 $0x1FFF, v7;
	v7 =	vshrl.u32 v19, $0x1;
	v12 =	vld [tilespmem:$0x190]  }
0x3c: {  	v2 =	vor.u32 v2, v4;
	v4 =	vand.u32 $0x1FFF, v7;
	v7 =	vand.u32 $0xFFFFE000, v11  }
0x3d: {  	v6 =	vand.u32 $0xFFFFE000, v6;
	v11 =	vshra.s32 v19, $0x2;
	v7 =	vor.u32 v9, v7;
	v9 =	vld [tilespmem:$0x1C0];
	[tilespmem:$0x3F0] =	vst v0  }
0x3e: {  	v0 =	vor.u32 v5, v18;
	v5 =	vor.u32 v8, v6;
	[tilespmem:$0x350] =	vst v2;
	v2 =	vand.u32 $0xFFFFE000, v11;
	v6 =	vld [tilespmem:$0x1B0]  }
0x3f: {  	v1 =	vor.u32 v1, v3;
	v3 =	vor.u32 v15, v14;
	[tilespmem:$0x300] =	vst v0;
	v0 =	vshra.s32 v10, $0x2;
	v8 =	vld [tilespmem:$0x1D0]  }
0x40: {  	v10 =	vshrl.u32 v10, $0x1;
	[tilespmem:$0x370] =	vst v7;
	v7 =	vshra.s32 v12, $0x2;
	v11 =	vshrl.u32 v12, $0x1  }
0x41: {  	v0 =	vand.u32 $0xFFFFE000, v0;
	[tilespmem:$0x280] =	vst v1;
	v1 =	vand.u32 $0xFFFFE000, v7;
	v7 =	vand.u32 $0x1FFF, v11  }
0x42: {  	[tilespmem:$0x2F0] =	vst v3;
	v1 =	vor.u32 v7, v1;
	v3 =	vand.u32 $0x1FFF, v10;
	v7 =	vshrl.u32 v9, $0x1  }
0x43: {  	[tilespmem:$0x390] =	vst v1;
	v0 =	vor.u32 v3, v0;
	v1 =	vshrl.u32 v6, $0x1;
	v3 =	vand.u32 $0x1FFF, v7  }
0x44: {  	[tilespmem:$0x380] =	vst v5;
	v5 =	vshra.s32 v6, $0x2;
	v1 =	vand.u32 $0x1FFF, v1;
	v6 =	vshrl.u32 v8, $0x1  }
0x45: {  	v2 =	vor.u32 v4, v2;
	v4 =	vshra.s32 v9, $0x2;
	[tilespmem:$0x3A0] =	vst v0;
	v0 =	vand.u32 $0xFFFFE000, v5  }
0x46: {  	[tilespmem:$0x360] =	vst v2;
	v0 =	vor.u32 v1, v0;
	v1 =	vand.u32 $0xFFFFE000, v4;
	v2 =	vshra.s32 v8, $0x2  }
0x47: {  	[tilespmem:$0x3B0] =	vst v0;
	v0 =	vor.u32 v3, v1;
	v1 =	vand.u32 $0xFFFFE000, v2;
	v2 =	vand.u32 $0x1FFF, v6  }
0x48: {  	[tilespmem:$0x3C0] =	vst v0;
	v0 =	vor.u32 v2, v1  }
0x49: {  	[tilespmem:$0x3D0] =	vst v0  }
0x4a: {  	[tilespmem:s5], [sflag:$0x1] =	stream.indirect.gather [hbm4b:s6+s7], $0x80, s8, s7, $0xb8;
	[tilespmem:$0x10400] =	vst v63  }
0x4b: {  	_ = 	snop  }
0x4c: {  	[tilespmem:s10], [sflag:$0x1] =	stream.indirect.gather [hbm4b:s6+s7], $0x80, s9, s7, $0xb8;
	[tilespmem:$0x10400] =	vst v63  }
0x4d: {  	_ = 	snop  }
0x4e: {  	[tilespmem:s13], [sflag:$0x1] =	stream.indirect.gather [hbm4b:s6+s7], $0x80, s11, s7, $0xb8;
	[tilespmem:$0x10400] =	vst v63  }
0x4f: {  	_ = 	snop  }
0x50: {  	[tilespmem:s16], [sflag:$0x1] =	stream.indirect.gather [hbm4b:s6+s7], $0x80, s14, s7, $0xb8;
	[tilespmem:$0x10400] =	vst v63  }
0x51: {  	_ =	swait.ge [sflag:s12], $0x4000  }
0x52: {  	[sflag:s12] =	ssyncset.done $0x0  }
0x53: {  	[sflag:s12] =	ssyncadd.s32 $0xFFFFC000  }
0x54: {  	_ =	swait.ge [sflag:s12], $0x4000  }
0x55: {  	[sflag:s12] =	ssyncset.done $0x0  }
0x56: {  	[sflag:s12] =	ssyncadd.s32 $0xFFFFC000  }
0x57: {  	_ =	swait.ge [sflag:s12], $0x4000  }
0x58: {  	[sflag:s12] =	ssyncset.done $0x0  }
0x59: {  	[sflag:s12] =	ssyncadd.s32 $0xFFFFC000  }
0x5a: {  	_ =	swait.ge [sflag:s12], $0x4000  }
0x5b: {  	[sflag:s12] =	ssyncset.done $0x0  }
0x5c: {  	[sflag:s12] =	ssyncadd.s32 $0xFFFFC000  }
0x5d: {  	[hbm4b:s4+s2] =	stream.linear.scatter [tilespmem:s5], [sflag:$0x2], $0x10000, $0x38;
	[tilespmem:$0x10400] =	vst v63  }
0x5e: {  	_ =	swait.ge [sflag:s3], $0x10000  }
0x5f: {  	[sflag:s3] =	ssyncset.done $0x0  }
0x60: {  	[sflag:s3] =	ssyncadd.s32 $0xFFFF0000  }
0x61: {  	[tilespmem:s2], [sflag:$0x2] =	stream.linear.gather [hbm4b:s15+s2], $0x200, $0x38;
	[tilespmem:$0x10400] =	vst v63  }
0x62: {  	_ =	swait.ge [sflag:s3], $0x200  }
0x63: {  	[sflag:s3] =	ssyncset.done $0x0  }
0x64: {  	[sflag:s3] =	ssyncadd.s32 $0xFFFFFE00  }
0x65: {  	v0 =	vld [tilespmem:$0x1F0]  }
0x66: {  	v1 =	vld [tilespmem:$0x1E0]  }
0x67: {  	v2 =	vld [tilespmem:$0x30]  }
0x68: {  	v3 =	vld [tilespmem:$0x40]  }
0x69: {  	v4 =	vld [tilespmem:$0x20]  }
0x6a: {  	v5 =	vld [tilespmem:$0x0];
	v6 =	vshra.s32 v0, $0x2;
	v0 =	vshrl.u32 v0, $0x1  }
0x6b: {  	v7 =	vld [tilespmem:$0x10];
	v8 =	vshra.s32 v1, $0x2;
	v1 =	vshrl.u32 v1, $0x1;
	v6 =	vand.u32 $0xFFFFE000, v6  }
0x6c: {  	v0 =	vand.u32 $0x1FFF, v0;
	v9 =	vld [tilespmem:$0x90];
	v8 =	vand.u32 $0xFFFFE000, v8;
	v1 =	vand.u32 $0x1FFF, v1  }
0x6d: {  	v0 =	vor.u32 v0, v6;
	v10 =	vld [tilespmem:$0x80];
	v1 =	vor.u32 v1, v8  }
0x6e: {  	v6 =	vshra.s32 v4, $0x2;
	v4 =	vshrl.u32 v4, $0x1;
	v8 =	vld [tilespmem:$0x70];
	[tilespmem:$0x3E0] =	vst v1  }
0x6f: {  	v1 =	vshra.s32 v3, $0x2;
	v12 =	vshra.s32 v5, $0x2;
	v6 =	vand.u32 $0xFFFFE000, v6;
	v11 =	vld [tilespmem:$0x60]  }
0x70: {  	v14 =	vshrl.u32 v2, $0x1;
	v1 =	vand.u32 $0xFFFFE000, v1;
	v13 =	vshra.s32 v7, $0x2;
	v15 =	vld [tilespmem:$0x50]  }
0x71: {  	v2 =	vshra.s32 v2, $0x2;
	v3 =	vshrl.u32 v3, $0x1;
	v16 =	vshrl.u32 v5, $0x1  }
0x72: {  	v2 =	vand.u32 $0xFFFFE000, v2;
	v17 =	vand.u32 $0x1FFF, v4;
	v4 =	vand.u32 $0x1FFF, v14  }
0x73: {  	v3 =	vand.u32 $0x1FFF, v3;
	v2 =	vor.u32 v4, v2;
	v13 =	vand.u32 $0xFFFFE000, v13  }
0x74: {  	v1 =	vor.u32 v3, v1;
	v3 =	vshrl.u32 v9, $0x1;
	[tilespmem:$0x230] =	vst v2;
	v2 =	vshrl.u32 v11, $0x1  }
0x75: {  	v4 =	vshrl.u32 v7, $0x1;
	v14 =	vshra.s32 v8, $0x2;
	v5 =	vand.u32 $0x1FFF, v2;
	v2 =	vld [tilespmem:$0x140]  }
0x76: {  	v3 =	vand.u32 $0x1FFF, v3;
	v7 =	vshra.s32 v15, $0x2;
	v15 =	vshrl.u32 v15, $0x1;
	v18 =	vld [tilespmem:$0xD0]  }
0x77: {  	v19 =	vand.u32 $0x1FFF, v4;
	v4 =	vand.u32 $0xFFFFE000, v7;
	v15 =	vand.u32 $0x1FFF, v15;
	v7 =	vld [tilespmem:$0xC0]  }
0x78: {  	v14 =	vand.u32 $0xFFFFE000, v14;
	[tilespmem:$0x240] =	vst v1;
	v1 =	vor.u32 v15, v4;
	v4 =	vshra.s32 v9, $0x2;
	v20 =	vld [tilespmem:$0xB0]  }
0x79: {  	v9 =	vshra.s32 v10, $0x2;
	[tilespmem:$0x250] =	vst v1;
	v1 =	vshrl.u32 v8, $0x1;
	v8 =	vshrl.u32 v10, $0x1;
	v21 =	vld [tilespmem:$0xA0]  }
0x7a: {  	v4 =	vand.u32 $0xFFFFE000, v4;
	v22 =	vand.u32 $0x1FFF, v1;
	v1 =	vand.u32 $0x1FFF, v8;
	v23 =	vld [tilespmem:$0x130]  }
0x7b: {  	v8 =	vshra.s32 v11, $0x2;
	v3 =	vor.u32 v3, v4;
	v4 =	vshrl.u32 v2, $0x1;
	v11 =	vld [tilespmem:$0x120]  }
0x7c: {  	v13 =	vor.u32 v19, v13;
	v24 =	vshra.s32 v18, $0x2;
	v15 =	vshrl.u32 v18, $0x1;
	[tilespmem:$0x290] =	vst v3;
	v10 =	vld [tilespmem:$0x110]  }
0x7d: {  	v12 =	vand.u32 $0xFFFFE000, v12;
	v16 =	vand.u32 $0x1FFF, v16;
	v3 =	vand.u32 $0xFFFFE000, v9;
	v9 =	vld [tilespmem:$0x100]  }
0x7e: {  	v6 =	vor.u32 v17, v6;
	v12 =	vor.u32 v16, v12;
	v16 =	vand.u32 $0x1FFF, v15;
	[tilespmem:$0x210] =	vst v13;
	v15 =	vld [tilespmem:$0xF0]  }
.Ltmp1:
0x7f: {  	v13 =	vor.u32 v22, v14;
	v14 =	vshra.s32 v21, $0x2;
	v19 =	vshrl.u32 v21, $0x1;
	v17 =	vld [tilespmem:$0xE0];
	(pc) =	sbr.rel @p0 .LBB2_1-.Ltmp1, $4  }
0x80: {  	v18 =	vshrl.u32 v20, $0x1;
	v21 =	vand.u32 $0xFFFFE000, v14;
	[tilespmem:$0x220] =	vst v6;
	v6 =	vshrl.u32 v23, $0x1  }
0x81: {  	v14 =	vshra.s32 v7, $0x2;
	v22 =	vshra.s32 v23, $0x2;
	[tilespmem:$0x200] =	vst v12;
	v12 =	vand.u32 $0x1FFF, v19  }
0x82: {  	[tilespmem:$0x270] =	vst v13;
	v19 =	vor.u32 v12, v21;
	v12 =	vshra.s32 v20, $0x2;
	v13 =	vshra.s32 v11, $0x2  }
0x83: {  	v21 =	vand.u32 $0xFFFFE000, v24;
	v20 =	vand.u32 $0xFFFFE000, v12;
	v12 =	vand.u32 $0xFFFFE000, v22  }
.LBB2_2:
0x84: {  	v18 =	vand.u32 $0x1FFF, v18;
	v7 =	vshrl.u32 v7, $0x1;
	v16 =	vor.u32 v16, v21  }
0x85: {  	v8 =	vand.u32 $0xFFFFE000, v8;
	v11 =	vshrl.u32 v11, $0x1;
	v14 =	vand.u32 $0xFFFFE000, v14  }
0x86: {  	v6 =	vand.u32 $0x1FFF, v6;
	v2 =	vshra.s32 v2, $0x2;
	v4 =	vand.u32 $0x1FFF, v4  }
0x87: {  	v1 =	vor.u32 v1, v3;
	v49 =	vshra.s32 v17, $0x2;
	v5 =	vor.u32 v5, v8  }
0x88: {  	v7 =	vand.u32 $0x1FFF, v7;
	v50 =	vshrl.u32 v17, $0x1;
	v51 =	vor.u32 v18, v20  }
0x89: {  	v56 =	vld [tilespmem:$0x180];
	v18 =	vand.u32 $0xFFFFE000, v13;
	v11 =	vand.u32 $0x1FFF, v11;
	v6 =	vor.u32 v6, v12  }
0x8a: {  	v59 =	vld [tilespmem:$0x170];
	v2 =	vand.u32 $0xFFFFE000, v2;
	v8 =	vand.u32 $0x1FFF, v50;
	v52 =	vshra.s32 v15, $0x2  }
0x8b: {  	[tilespmem:$0x2A0] =	vst v19;
	v61 =	vld [tilespmem:$0x150];
	v53 =	vand.u32 $0xFFFFE000, v49;
	v58 =	vshrl.u32 v15, $0x1;
	v7 =	vor.u32 v7, v14  }
0x8c: {  	v22 =	vld [tilespmem:$0x160];
	[tilespmem:$0x3F0] =	vst v0;
	v2 =	vor.u32 v4, v2;
	v54 =	vshrl.u32 v10, $0x1;
	v55 =	vshra.s32 v10, $0x2  }
0x8d: {  	v29 =	vld [tilespmem:$0x1A0];
	[tilespmem:$0x2D0] =	vst v16;
	v8 =	vor.u32 v8, v53;
	v62 =	vand.u32 $0xFFFFE000, v52;
	v15 =	vand.u32 $0x1FFF, v58  }
0x8e: {  	v32 =	vld [tilespmem:$0x190];
	[tilespmem:$0x280] =	vst v1;
	v10 =	vand.u32 $0xFFFFE000, v55;
	v21 =	vand.u32 $0x1FFF, v54;
	v57 =	vshra.s32 v9, $0x2  }
0x8f: {  	v37 =	vld [tilespmem:$0x1C0];
	[tilespmem:$0x260] =	vst v5;
	v60 =	vshrl.u32 v9, $0x1;
	v9 =	vor.u32 v11, v18;
	v42 =	vor.u32 v15, v62  }
0x90: {  	v41 =	vld [tilespmem:$0x1B0];
	[tilespmem:$0x2B0] =	vst v51;
	v10 =	vor.u32 v21, v10;
	v21 =	vand.u32 $0xFFFFE000, v57;
	v63 =	vand.u32 $0x1FFF, v60  }
0x91: {  	v44 =	vld [tilespmem:$0x1D0];
	[tilespmem:$0x330] =	vst v6;
	v23 =	vshrl.u32 v56, $0x1;
	v25 =	vshra.s32 v56, $0x2;
	v26 =	vshra.s32 v61, $0x2  }
0x92: {  	[tilespmem:$0x2C0] =	vst v7;
	v27 =	vshrl.u32 v59, $0x1;
	v28 =	vshrl.u32 v61, $0x1;
	v30 =	vshrl.u32 v22, $0x1  }
0x93: {  	[tilespmem:$0x2E0] =	vst v8;
	v31 =	vshra.s32 v59, $0x2;
	v8 =	vshra.s32 v22, $0x2;
	v43 =	vshra.s32 v29, $0x2  }
0x94: {  	[tilespmem:$0x340] =	vst v2;
	v45 =	vshra.s32 v32, $0x2;
	v46 =	vshrl.u32 v32, $0x1;
	v47 =	vshrl.u32 v29, $0x1  }
0x95: {  	[tilespmem:$0x320] =	vst v9;
	v51 =	vshrl.u32 v37, $0x1;
	v52 =	vshrl.u32 v41, $0x1;
	v54 =	vshra.s32 v41, $0x2  }
0x96: {  	[tilespmem:$0x2F0] =	vst v42;
	v55 =	vshrl.u32 v44, $0x1;
	v57 =	vshra.s32 v37, $0x2;
	v59 =	vshra.s32 v44, $0x2  }
0x97: {  	[tilespmem:$0x310] =	vst v10;
	v4 =	vand.u32 $0xFFFFE000, v26;
	v6 =	vand.u32 $0x1FFF, v28;
	v38 =	vor.u32 v63, v21  }
0x98: {  	v7 =	vand.u32 $0x1FFF, v27;
	v35 =	vand.u32 $0xFFFFE000, v31;
	v33 =	vor.u32 v6, v4;
	[tilespmem:$0x300] =	vst v38  }
0x99: {  	v48 =	vand.u32 $0xFFFFE000, v45;
	v49 =	vand.u32 $0x1FFF, v46;
	v6 =	vor.u32 v7, v35;
	[tilespmem:$0x350] =	vst v33  }
0x9a: {  	v24 =	vand.u32 $0x1FFF, v23;
	v36 =	vand.u32 $0xFFFFE000, v25;
	v1 =	vor.u32 v49, v48;
	[tilespmem:$0x370] =	vst v6  }
0x9b: {  	v0 =	vand.u32 $0xFFFFE000, v43;
	v50 =	vand.u32 $0x1FFF, v47;
	v40 =	vor.u32 v24, v36;
	[tilespmem:$0x390] =	vst v1  }
0x9c: {  	v34 =	vand.u32 $0x1FFF, v30;
	v39 =	vand.u32 $0xFFFFE000, v8;
	v0 =	vor.u32 v50, v0;
	[tilespmem:$0x380] =	vst v40  }
0x9d: {  	v53 =	vand.u32 $0x1FFF, v51;
	v58 =	vand.u32 $0xFFFFE000, v57;
	v2 =	vor.u32 v34, v39;
	[tilespmem:$0x3A0] =	vst v0  }
0x9e: {  	v61 =	vand.u32 $0xFFFFE000, v59;
	v62 =	vand.u32 $0x1FFF, v55;
	v60 =	vor.u32 v53, v58;
	[tilespmem:$0x360] =	vst v2  }
0x9f: {  	v56 =	vand.u32 $0xFFFFE000, v54;
	v63 =	vor.u32 v62, v61;
	v1 =	vand.u32 $0x1FFF, v52;
	[tilespmem:$0x3C0] =	vst v60  }
0xa0: {  	[tilespmem:$0x3D0] =	vst v63;
	v0 =	vor.u32 v1, v56  }
0xa1: {  	[tilespmem:$0x3B0] =	vst v0  }
0xa2: {  	[tilespmem:s5], [sflag:$0x1] =	stream.indirect.gather [hbm4b:s6+s7], $0x80, s8, s7, $0xb8;
	[tilespmem:$0x10400] =	vst v63  }
0xa3: {  	_ = 	snop  }
0xa4: {  	[tilespmem:s10], [sflag:$0x1] =	stream.indirect.gather [hbm4b:s6+s7], $0x80, s9, s7, $0xb8;
	[tilespmem:$0x10400] =	vst v63  }
0xa5: {  	_ = 	snop  }
0xa6: {  	[tilespmem:s13], [sflag:$0x1] =	stream.indirect.gather [hbm4b:s6+s7], $0x80, s11, s7, $0xb8;
	[tilespmem:$0x10400] =	vst v63  }
0xa7: {  	_ = 	snop  }
0xa8: {  	[tilespmem:s16], [sflag:$0x1] =	stream.indirect.gather [hbm4b:s6+s7], $0x80, s14, s7, $0xb8;
	[tilespmem:$0x10400] =	vst v63  }
0xa9: {  	_ =	swait.ge [sflag:s12], $0x4000  }
0xaa: {  	[sflag:s12] =	ssyncset.done $0x0  }
0xab: {  	[sflag:s12] =	ssyncadd.s32 $0xFFFFC000  }
0xac: {  	_ =	swait.ge [sflag:s12], $0x4000  }
0xad: {  	[sflag:s12] =	ssyncset.done $0x0  }
0xae: {  	[sflag:s12] =	ssyncadd.s32 $0xFFFFC000  }
0xaf: {  	_ =	swait.ge [sflag:s12], $0x4000  }
0xb0: {  	[sflag:s12] =	ssyncset.done $0x0  }
0xb1: {  	[sflag:s12] =	ssyncadd.s32 $0xFFFFC000  }
0xb2: {  	_ =	swait.ge [sflag:s12], $0x4000  }
0xb3: {  	[sflag:s12] =	ssyncset.done $0x0  }
0xb4: {  	[sflag:s12] =	ssyncadd.s32 $0xFFFFC000  }
0xb5: {  	[hbm4b:s4+s2] =	stream.linear.scatter [tilespmem:s5], [sflag:$0x2], $0x10000, $0x38;
	[tilespmem:$0x10400] =	vst v63  }
0xb6: {  	_ =	swait.ge [sflag:s3], $0x10000  }
0xb7: {  	[sflag:s3] =	ssyncset.done $0x0  }
0xb8: {  	[sflag:s3] =	ssyncadd.s32 $0xFFFF0000  }
0xb9: {  	_ =	sfence.sel $0x180000  }
0xba: {  	[bflag:$0x0] =	sbarrier.arrive $0xFFFF  }
0xbb: {  	p0 =	sne.s32 s0, $0x0;
	_ =	strace $0x90000047  }
0xbc: {  	s0 =	sadd.s32 @!p0 $0x100000, s1;
	[bflag:$0x2] =	sbarrier.arrive $0xFFFF  }
0xbd: {  	[sflag:s0] =	ssyncadd.tile.s32 @!p0 $0x1;
	_ =	shalt  }
.Lfunc_end2:
_tile_overlayer_lowered:
.L_overlay_start_2:
0xbe: {  	(tag) =	ssettag $0x2  }
0xbf: {  	s0 =	rddreg [dreg:$0x0];
	s2 =	stileid.u32  }
0xc0: {  	s1 =	rddreg [dreg:$0x1];
	p0 =	sne.s32 s2, $0x0  }
0xc1: {  	s3 =	rddreg [dreg:$0x2];
	[bflag:$0x3] =	sbarrier.arrive $0xFFFF;
	s2 =	simm.s32 @!p0 $0x1C02  }
0xc2: {  	[timem:s3], [sflag:s2] =	dma.local @!p0 [hbm:s0], s1  }
0xc3: {  	s0 =	simm.s32 @!p0 $0x2  }
0xc4: {  	_ =	swait.ge @!p0 [sflag:s0], s1  }
0xc5: {  	s1 =	ssub.s32 @!p0 $0x0, s1;
	[sflag:s0] =	ssyncset.done @!p0 $0x0  }
0xc6: {  	[sflag:s0] =	ssyncadd.s32 @!p0 s1  }
0xc7: {  	[bflag:$0x3] =	sbarrier.arrive $0xFFFF  }
0xc8: {  	_ =	shalt  }

</sc_bundles>
